<compile_context>
chip_gen: v7x
topology: tpu7x:2x2x1
jax: 0.10.2.dev20260603
libtpu: 0.0.44.dev20260713+nightly
codegen_flags: <defaults>
</compile_context>

<pallas_src>
import functools

import jax
import jax.numpy as jnp
import numpy as np
from jax import lax
from jax.experimental import pallas as pl
from jax.experimental.pallas import tpu as pltpu
from jax.experimental.pallas import tpu_sc as plsc

_N_IMG = 2
_C = 256
_H = 64
_W = 64
_STRIDE = 16
_IMG = 1024.0
_SIZES = (128.0, 256.0, 512.0)
_RATIOS = (0.5, 1.0, 2.0)
_A = 9
_PRE_NMS = 1000
_POST_NMS = 500
_NMS_THRESH = 0.7
_SCALE_CLAMP = float(np.log(1000.0 / 16.0))


def _anchors_np():
    out = []
    for s in _SIZES:
        area = s * s
        for r in _RATIOS:
            w = np.sqrt(area / r)
            h = w * r
            out.append([-w / 2.0, -h / 2.0, w / 2.0, h / 2.0])
    cell = np.array(out, dtype=np.float32)
    sx = (np.arange(_W) * _STRIDE).astype(np.float32)
    sy = (np.arange(_H) * _STRIDE).astype(np.float32)
    yy, xx = np.meshgrid(sy, sx, indexing='ij')
    shifts = np.stack([xx.ravel(), yy.ravel(), xx.ravel(), yy.ravel()], axis=1)
    return (shifts[:, None, :] + cell[None, :, :]).reshape(-1, 4)


def _rpn_heads(features, w_conv, b_conv, w_obj, b_obj, w_delta, b_delta):
    def conv(x, w, b, pad):
        y = lax.conv_general_dilated(x, w, (1, 1), pad,
                                     dimension_numbers=('NCHW', 'OIHW', 'NCHW'))
        return y + b[None, :, None, None]

    n = features.shape[0]
    t = jax.nn.relu(conv(features, w_conv, b_conv, 'SAME'))
    logits = conv(t, w_obj, b_obj, 'VALID')
    deltas = conv(t, w_delta, b_delta, 'VALID')
    scores = jnp.transpose(logits, (0, 2, 3, 1)).reshape(n, -1)
    deltas = jnp.transpose(deltas.reshape(n, _A, 4, _H, _W),
                           (0, 3, 4, 1, 2)).reshape(n, -1, 4)
    return scores, deltas


def _decode(deltas, boxes):
    widths = boxes[:, 2] - boxes[:, 0]
    heights = boxes[:, 3] - boxes[:, 1]
    ctr_x = boxes[:, 0] + 0.5 * widths
    ctr_y = boxes[:, 1] + 0.5 * heights
    dx, dy = deltas[:, 0], deltas[:, 1]
    dw = jnp.minimum(deltas[:, 2], _SCALE_CLAMP)
    dh = jnp.minimum(deltas[:, 3], _SCALE_CLAMP)
    pcx = dx * widths + ctr_x
    pcy = dy * heights + ctr_y
    pw = jnp.exp(dw) * widths
    ph = jnp.exp(dh) * heights
    return jnp.stack([pcx - 0.5 * pw, pcy - 0.5 * ph,
                      pcx + 0.5 * pw, pcy + 0.5 * ph], axis=1)


_KPAD = 1024


def _nms_body(x1_ref, y1_ref, x2_ref, y2_ref,
              x1s_ref, y1s_ref, x2s_ref, y2s_ref, keep_ref):
    x1, y1 = x1_ref[0], y1_ref[0]
    x2, y2 = x2_ref[0], y2_ref[0]
    areas = (x2 - x1) * (y2 - y1)
    gidx = (lax.broadcasted_iota(jnp.int32, (8, 128), 0) * 128
            + lax.broadcasted_iota(jnp.int32, (8, 128), 1))
    keep_ref[0] = jnp.ones((8, 128), dtype=jnp.float32)

    def body(i, _):
        keep = keep_ref[0]
        keep_i = jnp.max(jnp.where(gidx == i, keep, 0.0))

        @pl.when(keep_i > 0.0)
        def _():
            x1i = x1s_ref[0, 0, i]
            y1i = y1s_ref[0, 0, i]
            x2i = x2s_ref[0, 0, i]
            y2i = y2s_ref[0, 0, i]
            area_i = (x2i - x1i) * (y2i - y1i)
            xx1 = jnp.maximum(x1i, x1)
            yy1 = jnp.maximum(y1i, y1)
            xx2 = jnp.minimum(x2i, x2)
            yy2 = jnp.minimum(y2i, y2)
            inter = (jnp.clip(xx2 - xx1, 0.0, None)
                     * jnp.clip(yy2 - yy1, 0.0, None))
            iou = inter / (area_i + areas - inter + 1e-9)
            suppress = (iou > _NMS_THRESH) & (gidx > i)
            keep_ref[0] = jnp.where(suppress, 0.0, keep)

        return 0

    lax.fori_loop(0, _PRE_NMS, body, 0)


def _nms(boxes_all):
    from jax.experimental.pallas import tpu as pltpu
    n = boxes_all.shape[0]
    comps = [jnp.pad(boxes_all[:, :, c], ((0, 0), (0, _KPAD - _PRE_NMS)))
             for c in range(4)]
    vecs = [c.reshape(n, 8, 128) for c in comps]
    scals = [c.reshape(n, 1, _KPAD) for c in comps]
    keep = pl.pallas_call(
        _nms_body,
        grid=(n,),
        in_specs=([pl.BlockSpec((1, 8, 128), lambda i: (i, 0, 0))] * 4
                  + [pl.BlockSpec((1, 1, _KPAD), lambda i: (i, 0, 0),
                                  memory_space=pltpu.SMEM)] * 4),
        out_specs=pl.BlockSpec((1, 8, 128), lambda i: (i, 0, 0)),
        out_shape=jax.ShapeDtypeStruct((n, 8, 128), jnp.float32),
    )(*vecs, *scals)
    return keep.reshape(n, _KPAD)[:, :_PRE_NMS] > 0.0


_NW = 32
_GB = 8192
_PER_W = _GB // _NW


def _sc_gather_body(didx_hbm, aidx_hbm, dtab_hbm, atab_hbm, dout_hbm,
                    aout_hbm, didx_v, aidx_v, drows_v, arows_v, sem):
    wid = lax.axis_index("s") * 2 + lax.axis_index("c")
    base = wid * _PER_W
    for j in range(_PER_W // 128):
        pltpu.sync_copy(didx_hbm.at[pl.ds(base + j * 128, 128)], didx_v.at[j])
        pltpu.sync_copy(aidx_hbm.at[pl.ds(base + j * 128, 128)], aidx_v.at[j])
        pltpu.async_copy(dtab_hbm.at[didx_v.at[j]], drows_v.at[j], sem).wait()
        pltpu.async_copy(atab_hbm.at[aidx_v.at[j]], arows_v.at[j], sem).wait()
        pltpu.sync_copy(drows_v.at[j], dout_hbm.at[pl.ds(base + j * 128, 128)])
        pltpu.sync_copy(arows_v.at[j], aout_hbm.at[pl.ds(base + j * 128, 128)])


_sc_gather = functools.partial(
    pl.kernel,
    mesh=plsc.VectorSubcoreMesh(core_axis_name="c", subcore_axis_name="s"),
    out_type=[jax.ShapeDtypeStruct((_GB,), jnp.float32),
              jax.ShapeDtypeStruct((_GB,), jnp.float32)],
    scratch_types=[pltpu.VMEM((_PER_W // 128, 128), jnp.int32),
                   pltpu.VMEM((_PER_W // 128, 128), jnp.int32),
                   pltpu.VMEM((_PER_W // 128, 128), jnp.float32),
                   pltpu.VMEM((_PER_W // 128, 128), jnp.float32),
                   pltpu.SemaphoreType.DMA],
)(_sc_gather_body)


def _gather_sel(deltas, anchors, idx):
    n = deltas.shape[0]
    idx_p = jnp.pad(idx, ((0, 0), (0, _KPAD - _PRE_NMS)))
    comp = jnp.arange(4, dtype=jnp.int32)[None, None, :]
    eidx_a = (idx_p[:, :, None] * 4 + comp).reshape(-1)
    img_off = (jnp.arange(n, dtype=jnp.int32) * (deltas.shape[1] * 4))
    eidx_d = ((idx_p[:, :, None] * 4 + comp)
              + img_off[:, None, None]).reshape(-1)
    d_sel, a_sel = _sc_gather(eidx_d, eidx_a,
                              deltas.reshape(-1), anchors.reshape(-1))
    d_sel = d_sel.reshape(n, _KPAD, 4)[:, :_PRE_NMS]
    a_sel = a_sel.reshape(n, _KPAD, 4)[:, :_PRE_NMS]
    return d_sel, a_sel


def kernel(features, w_conv, b_conv, w_obj, b_obj, w_delta, b_delta):
    scores, deltas = _rpn_heads(features, w_conv, b_conv, w_obj, b_obj,
                                w_delta, b_delta)
    anchors = jnp.asarray(_anchors_np())
    vals, idx = lax.top_k(scores, _PRE_NMS)
    d_sel, a_sel = _gather_sel(deltas, anchors, idx)
    boxes_all = []
    for i in range(_N_IMG):
        b = _decode(d_sel[i], a_sel[i])
        boxes_all.append(jnp.clip(b, 0.0, _IMG))
    boxes_all = jnp.stack(boxes_all)
    keeps = _nms(boxes_all)
    outs = []
    for i in range(_N_IMG):
        kept = jnp.where(keeps[i], vals[i], -jnp.inf)
        _, sel = lax.top_k(kept, _POST_NMS)
        outs.append(jnp.concatenate(
            [boxes_all[i][sel], vals[i][sel][:, None]], axis=1))
    return jnp.stack(outs)

# --- scband reference (transcript-rebuilt; emitter-appended) ---
"""Pipeline reference for scband-rpn-66898410603005 (READ-ONLY COPY).

The authoritative reference and input builder live on the scoring server;
editing this copy changes nothing except your own understanding.
"""

import jax
import jax.numpy as jnp
import numpy as np

N_IMG = 2
C = 256
H = 64
W = 64
STRIDE = 16
IMG = 1024.0
SIZES = (128.0, 256.0, 512.0)
RATIOS = (0.5, 1.0, 2.0)
A = 9
PRE_NMS = 1000
POST_NMS = 500
NMS_THRESH = 0.7
SCALE_CLAMP = float(np.log(1000.0 / 16.0))


def _cell_anchors():
    out = []
    for s in SIZES:
        area = s * s
        for r in RATIOS:
            w = np.sqrt(area / r)
            h = w * r
            out.append([-w / 2.0, -h / 2.0, w / 2.0, h / 2.0])
    return jnp.asarray(np.array(out, dtype=np.float32))


def _grid_anchors():
    cell = _cell_anchors()
    sx = (jnp.arange(W) * STRIDE).astype(jnp.float32)
    sy = (jnp.arange(H) * STRIDE).astype(jnp.float32)
    yy, xx = jnp.meshgrid(sy, sx, indexing='ij')
    shifts = jnp.stack([xx.ravel(), yy.ravel(), xx.ravel(), yy.ravel()], axis=1)
    return (shifts[:, None, :] + cell[None, :, :]).reshape(-1, 4)


def _apply_deltas(deltas, boxes):
    widths = boxes[:, 2] - boxes[:, 0]
    heights = boxes[:, 3] - boxes[:, 1]
    ctr_x = boxes[:, 0] + 0.5 * widths
    ctr_y = boxes[:, 1] + 0.5 * heights
    dx, dy = deltas[:, 0], deltas[:, 1]
    dw = jnp.minimum(deltas[:, 2], SCALE_CLAMP)
    dh = jnp.minimum(deltas[:, 3], SCALE_CLAMP)
    pcx = dx * widths + ctr_x
    pcy = dy * heights + ctr_y
    pw = jnp.exp(dw) * widths
    ph = jnp.exp(dh) * heights
    return jnp.stack([pcx - 0.5 * pw, pcy - 0.5 * ph, pcx + 0.5 * pw, pcy + 0.5 * ph], axis=1)


def _nms_keep(boxes, iou_thresh):
    K = boxes.shape[0]
    areas = (boxes[:, 2] - boxes[:, 0]) * (boxes[:, 3] - boxes[:, 1])
    idxs = jnp.arange(K)

    def body(i, keep):
        xx1 = jnp.maximum(boxes[i, 0], boxes[:, 0])
        yy1 = jnp.maximum(boxes[i, 1], boxes[:, 1])
        xx2 = jnp.minimum(boxes[i, 2], boxes[:, 2])
        yy2 = jnp.minimum(boxes[i, 3], boxes[:, 3])
        inter = jnp.clip(xx2 - xx1, 0.0, None) * jnp.clip(yy2 - yy1, 0.0, None)
        iou = inter / (areas[i] + areas - inter + 1e-9)
        suppress = (iou > iou_thresh) & (idxs > i) & keep[i]
        return keep & (~suppress)

    return jax.lax.fori_loop(0, K, body, jnp.ones((K,), dtype=bool))


def _conv(x, w, b, pad):
    y = jax.lax.conv_general_dilated(x, w, (1, 1), pad, dimension_numbers=('NCHW', 'OIHW', 'NCHW'))
    return y + b[None, :, None, None]


def _forward(features, w_conv, b_conv, w_obj, b_obj, w_delta, b_delta):
    n = features.shape[0]
    t = jax.nn.relu(_conv(features, w_conv, b_conv, 'SAME'))
    logits = _conv(t, w_obj, b_obj, 'VALID')
    deltas = _conv(t, w_delta, b_delta, 'VALID')
    # permute(0,2,3,1).flatten(1)  -> [N, H*W*A]
    logits = jnp.transpose(logits, (0, 2, 3, 1)).reshape(n, -1)
    # view(N, A, 4, H, W).permute(0,3,4,1,2).flatten(1,-2) -> [N, H*W*A, 4]
    deltas = jnp.transpose(deltas.reshape(n, A, 4, H, W), (0, 3, 4, 1, 2)).reshape(n, -1, 4)
    anchors = _grid_anchors()
    outs = []
    for i in range(n):
        props = _apply_deltas(deltas[i], anchors)
        scores = logits[i]
        vals, idx = jax.lax.top_k(scores, PRE_NMS)
        boxes = props[idx]
        boxes = jnp.clip(boxes, 0.0, IMG)
        keep = _nms_keep(jax.lax.stop_gradient(boxes), NMS_THRESH)
        kept = jnp.where(keep, jax.lax.stop_gradient(vals), -jnp.inf)
        _, sel = jax.lax.top_k(kept, POST_NMS)
        outs.append(jnp.concatenate([boxes[sel], vals[sel][:, None]], axis=1))
    return jnp.stack(outs)


def setup_inputs(seed: int = 0) -> dict:
    key = jax.random.key(seed)
    ks = jax.random.split(key, 6)
    return {
        'features': jax.random.normal(ks[0], (N_IMG, C, H, W), dtype=jnp.float32),
        'w_conv': jax.random.normal(ks[1], (C, C, 3, 3), dtype=jnp.float32) * 0.02,
        'b_conv': jnp.zeros((C,), dtype=jnp.float32),
        'w_obj': jax.random.normal(ks[2], (A, C, 1, 1), dtype=jnp.float32) * 0.02,
        'b_obj': jnp.zeros((A,), dtype=jnp.float32),
        'w_delta': jax.random.normal(ks[3], (4 * A, C, 1, 1), dtype=jnp.float32) * 0.01,
        'b_delta': jnp.zeros((4 * A,), dtype=jnp.float32),
    }


def reference(features, w_conv, b_conv, w_obj, b_obj, w_delta, b_delta):
    return _forward(features, w_conv, b_conv, w_obj, b_obj, w_delta, b_delta)

if __name__ == "__main__":
    import jax
    _d = setup_inputs()
    print(jax.jit(kernel)(*tuple(_d.values())))

</pallas_src>

<mosaic_0001>
#map = affine_map<(d0, d1) -> (0)>
module attributes {stable_mosaic.version = 14 : i64} {
  func.func @_sc_gather_body(%arg0: i32, %arg1: i32, %arg2: memref<8192xi32, #tpu.memory_space<hbm>>, %arg3: memref<8192xi32, #tpu.memory_space<hbm>>, %arg4: memref<294912xf32, #tpu.memory_space<hbm>>, %arg5: memref<147456xf32, #tpu.memory_space<hbm>>, %arg6: memref<8192xf32, #tpu.memory_space<hbm>>, %arg7: memref<8192xf32, #tpu.memory_space<hbm>>, %arg8: memref<2x128xi32, #tpu.memory_space<vmem>>, %arg9: memref<2x128xi32, #tpu.memory_space<vmem>>, %arg10: memref<2x128xf32, #tpu.memory_space<vmem>>, %arg11: memref<2x128xf32, #tpu.memory_space<vmem>>, %arg12: memref<!tpu.dma_semaphore, #tpu.memory_space<semaphore_mem>>) attributes {dimension_semantics = [#tpu.dimension_semantics<core_parallel>, #tpu.dimension_semantics<subcore_parallel>], iteration_bounds = array<i64: 2, 16>, scalar_prefetch = 0 : i64, scratch_operands = 5 : i64, tpu.core_type = #tpu.core_type<sc_vector_subcore>, window_params = [{transform_indices = #map}, {transform_indices = #map}, {transform_indices = #map}, {transform_indices = #map}, {transform_indices = #map}, {transform_indices = #map}]} {
    %mul3A = arith.constant 2 : i32
    %mul3A_0 = arith.muli %arg1, %mul3A : i32
    %add3A = arith.addi %mul3A_0, %arg0 : i32
    %mul3A_1 = arith.constant 256 : i32
    %mul3A_2 = arith.muli %add3A, %mul3A_1 : i32
    %add3A_3 = arith.constant 0 : i32
    %add3A_4 = arith.addi %mul3A_2, %add3A_3 : i32
    %run_scoped3A = arith.constant 0 : i32
    "tpu.region"() ({
      %run_scoped3A_104 = tpu.sem_alloc : memref<!tpu.dma_semaphore, #tpu.memory_space<semaphore_mem>>
      %dma_start3A_105 = arith.constant 0 : i32
      %dma_start3A_106 = tpu.memref_slice %arg8[%run_scoped3A, %dma_start3A_105] : memref<2x128xi32, #tpu.memory_space<vmem>> -> memref<1x128xi32, #tpu.memory_space<vmem>>
      %dma_start3A_107 = tpu.memref_squeeze %dma_start3A_106 : memref<1x128xi32, #tpu.memory_space<vmem>> -> memref<128xi32, #tpu.memory_space<vmem>>
      %dma_start3A_108 = tpu.memref_slice %arg2[%add3A_4] : memref<8192xi32, #tpu.memory_space<hbm>> -> memref<128xi32, #tpu.memory_space<hbm>>
      %dma_start3A_109 = arith.constant 0 : i32
      %dma_start3A_110 = tpu.memref_slice %arg8[%run_scoped3A, %dma_start3A_109] : memref<2x128xi32, #tpu.memory_space<vmem>> -> memref<1x128xi32, #tpu.memory_space<vmem>>
      %dma_start3A_111 = tpu.memref_squeeze %dma_start3A_110 : memref<1x128xi32, #tpu.memory_space<vmem>> -> memref<128xi32, #tpu.memory_space<vmem>>
      %dma_start3A_112 = tpu.memref_slice %arg2[%add3A_4] : memref<8192xi32, #tpu.memory_space<hbm>> -> memref<128xi32, #tpu.memory_space<hbm>>
      tpu.enqueue_dma source(%dma_start3A_112 : memref<128xi32, #tpu.memory_space<hbm>>) target(%dma_start3A_111 : memref<128xi32, #tpu.memory_space<vmem>>) target_semaphore(%run_scoped3A_104 : memref<!tpu.dma_semaphore, #tpu.memory_space<semaphore_mem>>)
      %dma_wait3A_113 = arith.constant 0 : i32
      %dma_wait3A_114 = tpu.memref_slice %arg8[%run_scoped3A, %dma_wait3A_113] : memref<2x128xi32, #tpu.memory_space<vmem>> -> memref<1x128xi32, #tpu.memory_space<vmem>>
      %dma_wait3A_115 = tpu.memref_squeeze %dma_wait3A_114 : memref<1x128xi32, #tpu.memory_space<vmem>> -> memref<128xi32, #tpu.memory_space<vmem>>
      %dma_wait3A_116 = tpu.memref_slice %arg2[%add3A_4] : memref<8192xi32, #tpu.memory_space<hbm>> -> memref<128xi32, #tpu.memory_space<hbm>>
      %dma_wait3A_117 = arith.constant 0 : i32
      %dma_wait3A_118 = tpu.memref_slice %arg8[%run_scoped3A, %dma_wait3A_117] : memref<2x128xi32, #tpu.memory_space<vmem>> -> memref<1x128xi32, #tpu.memory_space<vmem>>
      %dma_wait3A_119 = tpu.memref_squeeze %dma_wait3A_118 : memref<1x128xi32, #tpu.memory_space<vmem>> -> memref<128xi32, #tpu.memory_space<vmem>>
      %dma_wait3A_120 = tpu.memref_slice %arg2[%add3A_4] : memref<8192xi32, #tpu.memory_space<hbm>> -> memref<128xi32, #tpu.memory_space<hbm>>
      tpu.wait_dma2 semaphore(%run_scoped3A_104 : memref<!tpu.dma_semaphore, #tpu.memory_space<semaphore_mem>>) src(%dma_wait3A_120 : memref<128xi32, #tpu.memory_space<hbm>>) dst(%dma_wait3A_119 : memref<128xi32, #tpu.memory_space<vmem>>)
      tpu.yield
    }) : () -> ()
    %add3A_5 = arith.constant 0 : i32
    %add3A_6 = arith.addi %mul3A_2, %add3A_5 : i32
    %run_scoped3A_7 = arith.constant 0 : i32
    "tpu.region"() ({
      %run_scoped3A_104 = tpu.sem_alloc : memref<!tpu.dma_semaphore, #tpu.memory_space<semaphore_mem>>
      %dma_start3A_105 = arith.constant 0 : i32
      %dma_start3A_106 = tpu.memref_slice %arg9[%run_scoped3A_7, %dma_start3A_105] : memref<2x128xi32, #tpu.memory_space<vmem>> -> memref<1x128xi32, #tpu.memory_space<vmem>>
      %dma_start3A_107 = tpu.memref_squeeze %dma_start3A_106 : memref<1x128xi32, #tpu.memory_space<vmem>> -> memref<128xi32, #tpu.memory_space<vmem>>
      %dma_start3A_108 = tpu.memref_slice %arg3[%add3A_6] : memref<8192xi32, #tpu.memory_space<hbm>> -> memref<128xi32, #tpu.memory_space<hbm>>
      %dma_start3A_109 = arith.constant 0 : i32
      %dma_start3A_110 = tpu.memref_slice %arg9[%run_scoped3A_7, %dma_start3A_109] : memref<2x128xi32, #tpu.memory_space<vmem>> -> memref<1x128xi32, #tpu.memory_space<vmem>>
      %dma_start3A_111 = tpu.memref_squeeze %dma_start3A_110 : memref<1x128xi32, #tpu.memory_space<vmem>> -> memref<128xi32, #tpu.memory_space<vmem>>
      %dma_start3A_112 = tpu.memref_slice %arg3[%add3A_6] : memref<8192xi32, #tpu.memory_space<hbm>> -> memref<128xi32, #tpu.memory_space<hbm>>
      tpu.enqueue_dma source(%dma_start3A_112 : memref<128xi32, #tpu.memory_space<hbm>>) target(%dma_start3A_111 : memref<128xi32, #tpu.memory_space<vmem>>) target_semaphore(%run_scoped3A_104 : memref<!tpu.dma_semaphore, #tpu.memory_space<semaphore_mem>>)
      %dma_wait3A_113 = arith.constant 0 : i32
      %dma_wait3A_114 = tpu.memref_slice %arg9[%run_scoped3A_7, %dma_wait3A_113] : memref<2x128xi32, #tpu.memory_space<vmem>> -> memref<1x128xi32, #tpu.memory_space<vmem>>
      %dma_wait3A_115 = tpu.memref_squeeze %dma_wait3A_114 : memref<1x128xi32, #tpu.memory_space<vmem>> -> memref<128xi32, #tpu.memory_space<vmem>>
      %dma_wait3A_116 = tpu.memref_slice %arg3[%add3A_6] : memref<8192xi32, #tpu.memory_space<hbm>> -> memref<128xi32, #tpu.memory_space<hbm>>
      %dma_wait3A_117 = arith.constant 0 : i32
      %dma_wait3A_118 = tpu.memref_slice %arg9[%run_scoped3A_7, %dma_wait3A_117] : memref<2x128xi32, #tpu.memory_space<vmem>> -> memref<1x128xi32, #tpu.memory_space<vmem>>
      %dma_wait3A_119 = tpu.memref_squeeze %dma_wait3A_118 : memref<1x128xi32, #tpu.memory_space<vmem>> -> memref<128xi32, #tpu.memory_space<vmem>>
      %dma_wait3A_120 = tpu.memref_slice %arg3[%add3A_6] : memref<8192xi32, #tpu.memory_space<hbm>> -> memref<128xi32, #tpu.memory_space<hbm>>
      tpu.wait_dma2 semaphore(%run_scoped3A_104 : memref<!tpu.dma_semaphore, #tpu.memory_space<semaphore_mem>>) src(%dma_wait3A_120 : memref<128xi32, #tpu.memory_space<hbm>>) dst(%dma_wait3A_119 : memref<128xi32, #tpu.memory_space<vmem>>)
      tpu.yield
    }) : () -> ()
    %dma_start3A = arith.constant 0 : i32
    %dma_start3A_8 = arith.constant 0 : i32
    %dma_start3A_9 = arith.constant 0 : i32
    %dma_start3A_10 = tpu.memref_slice %arg10[%dma_start3A_8, %dma_start3A_9] : memref<2x128xf32, #tpu.memory_space<vmem>> -> memref<1x128xf32, #tpu.memory_space<vmem>>
    %dma_start3A_11 = tpu.memref_squeeze %dma_start3A_10 : memref<1x128xf32, #tpu.memory_space<vmem>> -> memref<128xf32, #tpu.memory_space<vmem>>
    %dma_start3A_12 = arith.constant 0 : i32
    %dma_start3A_13 = tpu.memref_slice %arg8[%dma_start3A, %dma_start3A_12] : memref<2x128xi32, #tpu.memory_space<vmem>> -> memref<1x128xi32, #tpu.memory_space<vmem>>
    %dma_start3A_14 = tpu.memref_squeeze %dma_start3A_13 : memref<1x128xi32, #tpu.memory_space<vmem>> -> memref<128xi32, #tpu.memory_space<vmem>>
    %dma_start3A_15 = arith.constant 0 : i32
    %dma_start3A_16 = tpu.memref_slice %arg4[%dma_start3A_15] : memref<294912xf32, #tpu.memory_space<hbm>> -> memref<294912xf32, #tpu.memory_space<hbm>>
    tpu.enqueue_indirect_dma source(%dma_start3A_16 : memref<294912xf32, #tpu.memory_space<hbm>>) target(%dma_start3A_11 : memref<128xf32, #tpu.memory_space<vmem>>) offsets(%dma_start3A_14 : memref<128xi32, #tpu.memory_space<vmem>>) semaphore(%arg12 : memref<!tpu.dma_semaphore, #tpu.memory_space<semaphore_mem>>)
    %dma_wait3A = arith.constant 0 : i32
    %dma_wait3A_17 = arith.constant 0 : i32
    %dma_wait3A_18 = arith.constant 0 : i32
    %dma_wait3A_19 = tpu.memref_slice %arg10[%dma_wait3A_17, %dma_wait3A_18] : memref<2x128xf32, #tpu.memory_space<vmem>> -> memref<1x128xf32, #tpu.memory_space<vmem>>
    %dma_wait3A_20 = tpu.memref_squeeze %dma_wait3A_19 : memref<1x128xf32, #tpu.memory_space<vmem>> -> memref<128xf32, #tpu.memory_space<vmem>>
    %dma_wait3A_21 = arith.constant 0 : i32
    %dma_wait3A_22 = tpu.memref_slice %arg8[%dma_wait3A, %dma_wait3A_21] : memref<2x128xi32, #tpu.memory_space<vmem>> -> memref<1x128xi32, #tpu.memory_space<vmem>>
    %dma_wait3A_23 = tpu.memref_squeeze %dma_wait3A_22 : memref<1x128xi32, #tpu.memory_space<vmem>> -> memref<128xi32, #tpu.memory_space<vmem>>
    %dma_wait3A_24 = arith.constant 0 : i32
    %dma_wait3A_25 = tpu.memref_slice %arg4[%dma_wait3A_24] : memref<294912xf32, #tpu.memory_space<hbm>> -> memref<294912xf32, #tpu.memory_space<hbm>>
    tpu.wait_indirect_dma semaphore(%arg12 : memref<!tpu.dma_semaphore, #tpu.memory_space<semaphore_mem>>) src(%dma_wait3A_25 : memref<294912xf32, #tpu.memory_space<hbm>>) dst(%dma_wait3A_20 : memref<128xf32, #tpu.memory_space<vmem>>)
    %dma_start3A_26 = arith.constant 0 : i32
    %dma_start3A_27 = arith.constant 0 : i32
    %dma_start3A_28 = arith.constant 0 : i32
    %dma_start3A_29 = tpu.memref_slice %arg11[%dma_start3A_27, %dma_start3A_28] : memref<2x128xf32, #tpu.memory_space<vmem>> -> memref<1x128xf32, #tpu.memory_space<vmem>>
    %dma_start3A_30 = tpu.memref_squeeze %dma_start3A_29 : memref<1x128xf32, #tpu.memory_space<vmem>> -> memref<128xf32, #tpu.memory_space<vmem>>
    %dma_start3A_31 = arith.constant 0 : i32
    %dma_start3A_32 = tpu.memref_slice %arg9[%dma_start3A_26, %dma_start3A_31] : memref<2x128xi32, #tpu.memory_space<vmem>> -> memref<1x128xi32, #tpu.memory_space<vmem>>
    %dma_start3A_33 = tpu.memref_squeeze %dma_start3A_32 : memref<1x128xi32, #tpu.memory_space<vmem>> -> memref<128xi32, #tpu.memory_space<vmem>>
    %dma_start3A_34 = arith.constant 0 : i32
    %dma_start3A_35 = tpu.memref_slice %arg5[%dma_start3A_34] : memref<147456xf32, #tpu.memory_space<hbm>> -> memref<147456xf32, #tpu.memory_space<hbm>>
    tpu.enqueue_indirect_dma source(%dma_start3A_35 : memref<147456xf32, #tpu.memory_space<hbm>>) target(%dma_start3A_30 : memref<128xf32, #tpu.memory_space<vmem>>) offsets(%dma_start3A_33 : memref<128xi32, #tpu.memory_space<vmem>>) semaphore(%arg12 : memref<!tpu.dma_semaphore, #tpu.memory_space<semaphore_mem>>)
    %dma_wait3A_36 = arith.constant 0 : i32
    %dma_wait3A_37 = arith.constant 0 : i32
    %dma_wait3A_38 = arith.constant 0 : i32
    %dma_wait3A_39 = tpu.memref_slice %arg11[%dma_wait3A_37, %dma_wait3A_38] : memref<2x128xf32, #tpu.memory_space<vmem>> -> memref<1x128xf32, #tpu.memory_space<vmem>>
    %dma_wait3A_40 = tpu.memref_squeeze %dma_wait3A_39 : memref<1x128xf32, #tpu.memory_space<vmem>> -> memref<128xf32, #tpu.memory_space<vmem>>
    %dma_wait3A_41 = arith.constant 0 : i32
    %dma_wait3A_42 = tpu.memref_slice %arg9[%dma_wait3A_36, %dma_wait3A_41] : memref<2x128xi32, #tpu.memory_space<vmem>> -> memref<1x128xi32, #tpu.memory_space<vmem>>
    %dma_wait3A_43 = tpu.memref_squeeze %dma_wait3A_42 : memref<1x128xi32, #tpu.memory_space<vmem>> -> memref<128xi32, #tpu.memory_space<vmem>>
    %dma_wait3A_44 = arith.constant 0 : i32
    %dma_wait3A_45 = tpu.memref_slice %arg5[%dma_wait3A_44] : memref<147456xf32, #tpu.memory_space<hbm>> -> memref<147456xf32, #tpu.memory_space<hbm>>
    tpu.wait_indirect_dma semaphore(%arg12 : memref<!tpu.dma_semaphore, #tpu.memory_space<semaphore_mem>>) src(%dma_wait3A_45 : memref<147456xf32, #tpu.memory_space<hbm>>) dst(%dma_wait3A_40 : memref<128xf32, #tpu.memory_space<vmem>>)
    %add3A_46 = arith.constant 0 : i32
    %add3A_47 = arith.addi %mul3A_2, %add3A_46 : i32
    %run_scoped3A_48 = arith.constant 0 : i32
    "tpu.region"() ({
      %run_scoped3A_104 = tpu.sem_alloc : memref<!tpu.dma_semaphore, #tpu.memory_space<semaphore_mem>>
      %dma_start3A_105 = arith.constant 0 : i32
      %dma_start3A_106 = tpu.memref_slice %arg10[%run_scoped3A_48, %dma_start3A_105] : memref<2x128xf32, #tpu.memory_space<vmem>> -> memref<1x128xf32, #tpu.memory_space<vmem>>
      %dma_start3A_107 = tpu.memref_squeeze %dma_start3A_106 : memref<1x128xf32, #tpu.memory_space<vmem>> -> memref<128xf32, #tpu.memory_space<vmem>>
      %dma_start3A_108 = tpu.memref_slice %arg6[%add3A_47] : memref<8192xf32, #tpu.memory_space<hbm>> -> memref<128xf32, #tpu.memory_space<hbm>>
      %dma_start3A_109 = tpu.memref_slice %arg6[%add3A_47] : memref<8192xf32, #tpu.memory_space<hbm>> -> memref<128xf32, #tpu.memory_space<hbm>>
      %dma_start3A_110 = arith.constant 0 : i32
      %dma_start3A_111 = tpu.memref_slice %arg10[%run_scoped3A_48, %dma_start3A_110] : memref<2x128xf32, #tpu.memory_space<vmem>> -> memref<1x128xf32, #tpu.memory_space<vmem>>
      %dma_start3A_112 = tpu.memref_squeeze %dma_start3A_111 : memref<1x128xf32, #tpu.memory_space<vmem>> -> memref<128xf32, #tpu.memory_space<vmem>>
      tpu.enqueue_dma source(%dma_start3A_112 : memref<128xf32, #tpu.memory_space<vmem>>) target(%dma_start3A_109 : memref<128xf32, #tpu.memory_space<hbm>>) target_semaphore(%run_scoped3A_104 : memref<!tpu.dma_semaphore, #tpu.memory_space<semaphore_mem>>)
      %dma_wait3A_113 = arith.constant 0 : i32
      %dma_wait3A_114 = tpu.memref_slice %arg10[%run_scoped3A_48, %dma_wait3A_113] : memref<2x128xf32, #tpu.memory_space<vmem>> -> memref<1x128xf32, #tpu.memory_space<vmem>>
      %dma_wait3A_115 = tpu.memref_squeeze %dma_wait3A_114 : memref<1x128xf32, #tpu.memory_space<vmem>> -> memref<128xf32, #tpu.memory_space<vmem>>
      %dma_wait3A_116 = tpu.memref_slice %arg6[%add3A_47] : memref<8192xf32, #tpu.memory_space<hbm>> -> memref<128xf32, #tpu.memory_space<hbm>>
      %dma_wait3A_117 = tpu.memref_slice %arg6[%add3A_47] : memref<8192xf32, #tpu.memory_space<hbm>> -> memref<128xf32, #tpu.memory_space<hbm>>
      %dma_wait3A_118 = arith.constant 0 : i32
      %dma_wait3A_119 = tpu.memref_slice %arg10[%run_scoped3A_48, %dma_wait3A_118] : memref<2x128xf32, #tpu.memory_space<vmem>> -> memref<1x128xf32, #tpu.memory_space<vmem>>
      %dma_wait3A_120 = tpu.memref_squeeze %dma_wait3A_119 : memref<1x128xf32, #tpu.memory_space<vmem>> -> memref<128xf32, #tpu.memory_space<vmem>>
      tpu.wait_dma2 semaphore(%run_scoped3A_104 : memref<!tpu.dma_semaphore, #tpu.memory_space<semaphore_mem>>) src(%dma_wait3A_120 : memref<128xf32, #tpu.memory_space<vmem>>) dst(%dma_wait3A_117 : memref<128xf32, #tpu.memory_space<hbm>>)
      tpu.yield
    }) : () -> ()
    %add3A_49 = arith.constant 0 : i32
    %add3A_50 = arith.addi %mul3A_2, %add3A_49 : i32
    %run_scoped3A_51 = arith.constant 0 : i32
    "tpu.region"() ({
      %run_scoped3A_104 = tpu.sem_alloc : memref<!tpu.dma_semaphore, #tpu.memory_space<semaphore_mem>>
      %dma_start3A_105 = arith.constant 0 : i32
      %dma_start3A_106 = tpu.memref_slice %arg11[%run_scoped3A_51, %dma_start3A_105] : memref<2x128xf32, #tpu.memory_space<vmem>> -> memref<1x128xf32, #tpu.memory_space<vmem>>
      %dma_start3A_107 = tpu.memref_squeeze %dma_start3A_106 : memref<1x128xf32, #tpu.memory_space<vmem>> -> memref<128xf32, #tpu.memory_space<vmem>>
      %dma_start3A_108 = tpu.memref_slice %arg7[%add3A_50] : memref<8192xf32, #tpu.memory_space<hbm>> -> memref<128xf32, #tpu.memory_space<hbm>>
      %dma_start3A_109 = tpu.memref_slice %arg7[%add3A_50] : memref<8192xf32, #tpu.memory_space<hbm>> -> memref<128xf32, #tpu.memory_space<hbm>>
      %dma_start3A_110 = arith.constant 0 : i32
      %dma_start3A_111 = tpu.memref_slice %arg11[%run_scoped3A_51, %dma_start3A_110] : memref<2x128xf32, #tpu.memory_space<vmem>> -> memref<1x128xf32, #tpu.memory_space<vmem>>
      %dma_start3A_112 = tpu.memref_squeeze %dma_start3A_111 : memref<1x128xf32, #tpu.memory_space<vmem>> -> memref<128xf32, #tpu.memory_space<vmem>>
      tpu.enqueue_dma source(%dma_start3A_112 : memref<128xf32, #tpu.memory_space<vmem>>) target(%dma_start3A_109 : memref<128xf32, #tpu.memory_space<hbm>>) target_semaphore(%run_scoped3A_104 : memref<!tpu.dma_semaphore, #tpu.memory_space<semaphore_mem>>)
      %dma_wait3A_113 = arith.constant 0 : i32
      %dma_wait3A_114 = tpu.memref_slice %arg11[%run_scoped3A_51, %dma_wait3A_113] : memref<2x128xf32, #tpu.memory_space<vmem>> -> memref<1x128xf32, #tpu.memory_space<vmem>>
      %dma_wait3A_115 = tpu.memref_squeeze %dma_wait3A_114 : memref<1x128xf32, #tpu.memory_space<vmem>> -> memref<128xf32, #tpu.memory_space<vmem>>
      %dma_wait3A_116 = tpu.memref_slice %arg7[%add3A_50] : memref<8192xf32, #tpu.memory_space<hbm>> -> memref<128xf32, #tpu.memory_space<hbm>>
      %dma_wait3A_117 = tpu.memref_slice %arg7[%add3A_50] : memref<8192xf32, #tpu.memory_space<hbm>> -> memref<128xf32, #tpu.memory_space<hbm>>
      %dma_wait3A_118 = arith.constant 0 : i32
      %dma_wait3A_119 = tpu.memref_slice %arg11[%run_scoped3A_51, %dma_wait3A_118] : memref<2x128xf32, #tpu.memory_space<vmem>> -> memref<1x128xf32, #tpu.memory_space<vmem>>
      %dma_wait3A_120 = tpu.memref_squeeze %dma_wait3A_119 : memref<1x128xf32, #tpu.memory_space<vmem>> -> memref<128xf32, #tpu.memory_space<vmem>>
      tpu.wait_dma2 semaphore(%run_scoped3A_104 : memref<!tpu.dma_semaphore, #tpu.memory_space<semaphore_mem>>) src(%dma_wait3A_120 : memref<128xf32, #tpu.memory_space<vmem>>) dst(%dma_wait3A_117 : memref<128xf32, #tpu.memory_space<hbm>>)
      tpu.yield
    }) : () -> ()
    %add3A_52 = arith.constant 128 : i32
    %add3A_53 = arith.addi %mul3A_2, %add3A_52 : i32
    %run_scoped3A_54 = arith.constant 1 : i32
    "tpu.region"() ({
      %run_scoped3A_104 = tpu.sem_alloc : memref<!tpu.dma_semaphore, #tpu.memory_space<semaphore_mem>>
      %dma_start3A_105 = arith.constant 0 : i32
      %dma_start3A_106 = tpu.memref_slice %arg8[%run_scoped3A_54, %dma_start3A_105] : memref<2x128xi32, #tpu.memory_space<vmem>> -> memref<1x128xi32, #tpu.memory_space<vmem>>
      %dma_start3A_107 = tpu.memref_squeeze %dma_start3A_106 : memref<1x128xi32, #tpu.memory_space<vmem>> -> memref<128xi32, #tpu.memory_space<vmem>>
      %dma_start3A_108 = tpu.memref_slice %arg2[%add3A_53] : memref<8192xi32, #tpu.memory_space<hbm>> -> memref<128xi32, #tpu.memory_space<hbm>>
      %dma_start3A_109 = arith.constant 0 : i32
      %dma_start3A_110 = tpu.memref_slice %arg8[%run_scoped3A_54, %dma_start3A_109] : memref<2x128xi32, #tpu.memory_space<vmem>> -> memref<1x128xi32, #tpu.memory_space<vmem>>
      %dma_start3A_111 = tpu.memref_squeeze %dma_start3A_110 : memref<1x128xi32, #tpu.memory_space<vmem>> -> memref<128xi32, #tpu.memory_space<vmem>>
      %dma_start3A_112 = tpu.memref_slice %arg2[%add3A_53] : memref<8192xi32, #tpu.memory_space<hbm>> -> memref<128xi32, #tpu.memory_space<hbm>>
      tpu.enqueue_dma source(%dma_start3A_112 : memref<128xi32, #tpu.memory_space<hbm>>) target(%dma_start3A_111 : memref<128xi32, #tpu.memory_space<vmem>>) target_semaphore(%run_scoped3A_104 : memref<!tpu.dma_semaphore, #tpu.memory_space<semaphore_mem>>)
      %dma_wait3A_113 = arith.constant 0 : i32
      %dma_wait3A_114 = tpu.memref_slice %arg8[%run_scoped3A_54, %dma_wait3A_113] : memref<2x128xi32, #tpu.memory_space<vmem>> -> memref<1x128xi32, #tpu.memory_space<vmem>>
      %dma_wait3A_115 = tpu.memref_squeeze %dma_wait3A_114 : memref<1x128xi32, #tpu.memory_space<vmem>> -> memref<128xi32, #tpu.memory_space<vmem>>
      %dma_wait3A_116 = tpu.memref_slice %arg2[%add3A_53] : memref<8192xi32, #tpu.memory_space<hbm>> -> memref<128xi32, #tpu.memory_space<hbm>>
      %dma_wait3A_117 = arith.constant 0 : i32
      %dma_wait3A_118 = tpu.memref_slice %arg8[%run_scoped3A_54, %dma_wait3A_117] : memref<2x128xi32, #tpu.memory_space<vmem>> -> memref<1x128xi32, #tpu.memory_space<vmem>>
      %dma_wait3A_119 = tpu.memref_squeeze %dma_wait3A_118 : memref<1x128xi32, #tpu.memory_space<vmem>> -> memref<128xi32, #tpu.memory_space<vmem>>
      %dma_wait3A_120 = tpu.memref_slice %arg2[%add3A_53] : memref<8192xi32, #tpu.memory_space<hbm>> -> memref<128xi32, #tpu.memory_space<hbm>>
      tpu.wait_dma2 semaphore(%run_scoped3A_104 : memref<!tpu.dma_semaphore, #tpu.memory_space<semaphore_mem>>) src(%dma_wait3A_120 : memref<128xi32, #tpu.memory_space<hbm>>) dst(%dma_wait3A_119 : memref<128xi32, #tpu.memory_space<vmem>>)
      tpu.yield
    }) : () -> ()
    %add3A_55 = arith.constant 128 : i32
    %add3A_56 = arith.addi %mul3A_2, %add3A_55 : i32
    %run_scoped3A_57 = arith.constant 1 : i32
    "tpu.region"() ({
      %run_scoped3A_104 = tpu.sem_alloc : memref<!tpu.dma_semaphore, #tpu.memory_space<semaphore_mem>>
      %dma_start3A_105 = arith.constant 0 : i32
      %dma_start3A_106 = tpu.memref_slice %arg9[%run_scoped3A_57, %dma_start3A_105] : memref<2x128xi32, #tpu.memory_space<vmem>> -> memref<1x128xi32, #tpu.memory_space<vmem>>
      %dma_start3A_107 = tpu.memref_squeeze %dma_start3A_106 : memref<1x128xi32, #tpu.memory_space<vmem>> -> memref<128xi32, #tpu.memory_space<vmem>>
      %dma_start3A_108 = tpu.memref_slice %arg3[%add3A_56] : memref<8192xi32, #tpu.memory_space<hbm>> -> memref<128xi32, #tpu.memory_space<hbm>>
      %dma_start3A_109 = arith.constant 0 : i32
      %dma_start3A_110 = tpu.memref_slice %arg9[%run_scoped3A_57, %dma_start3A_109] : memref<2x128xi32, #tpu.memory_space<vmem>> -> memref<1x128xi32, #tpu.memory_space<vmem>>
      %dma_start3A_111 = tpu.memref_squeeze %dma_start3A_110 : memref<1x128xi32, #tpu.memory_space<vmem>> -> memref<128xi32, #tpu.memory_space<vmem>>
      %dma_start3A_112 = tpu.memref_slice %arg3[%add3A_56] : memref<8192xi32, #tpu.memory_space<hbm>> -> memref<128xi32, #tpu.memory_space<hbm>>
      tpu.enqueue_dma source(%dma_start3A_112 : memref<128xi32, #tpu.memory_space<hbm>>) target(%dma_start3A_111 : memref<128xi32, #tpu.memory_space<vmem>>) target_semaphore(%run_scoped3A_104 : memref<!tpu.dma_semaphore, #tpu.memory_space<semaphore_mem>>)
      %dma_wait3A_113 = arith.constant 0 : i32
      %dma_wait3A_114 = tpu.memref_slice %arg9[%run_scoped3A_57, %dma_wait3A_113] : memref<2x128xi32, #tpu.memory_space<vmem>> -> memref<1x128xi32, #tpu.memory_space<vmem>>
      %dma_wait3A_115 = tpu.memref_squeeze %dma_wait3A_114 : memref<1x128xi32, #tpu.memory_space<vmem>> -> memref<128xi32, #tpu.memory_space<vmem>>
      %dma_wait3A_116 = tpu.memref_slice %arg3[%add3A_56] : memref<8192xi32, #tpu.memory_space<hbm>> -> memref<128xi32, #tpu.memory_space<hbm>>
      %dma_wait3A_117 = arith.constant 0 : i32
      %dma_wait3A_118 = tpu.memref_slice %arg9[%run_scoped3A_57, %dma_wait3A_117] : memref<2x128xi32, #tpu.memory_space<vmem>> -> memref<1x128xi32, #tpu.memory_space<vmem>>
      %dma_wait3A_119 = tpu.memref_squeeze %dma_wait3A_118 : memref<1x128xi32, #tpu.memory_space<vmem>> -> memref<128xi32, #tpu.memory_space<vmem>>
      %dma_wait3A_120 = tpu.memref_slice %arg3[%add3A_56] : memref<8192xi32, #tpu.memory_space<hbm>> -> memref<128xi32, #tpu.memory_space<hbm>>
      tpu.wait_dma2 semaphore(%run_scoped3A_104 : memref<!tpu.dma_semaphore, #tpu.memory_space<semaphore_mem>>) src(%dma_wait3A_120 : memref<128xi32, #tpu.memory_space<hbm>>) dst(%dma_wait3A_119 : memref<128xi32, #tpu.memory_space<vmem>>)
      tpu.yield
    }) : () -> ()
    %dma_start3A_58 = arith.constant 1 : i32
    %dma_start3A_59 = arith.constant 1 : i32
    %dma_start3A_60 = arith.constant 0 : i32
    %dma_start3A_61 = tpu.memref_slice %arg10[%dma_start3A_59, %dma_start3A_60] : memref<2x128xf32, #tpu.memory_space<vmem>> -> memref<1x128xf32, #tpu.memory_space<vmem>>
    %dma_start3A_62 = tpu.memref_squeeze %dma_start3A_61 : memref<1x128xf32, #tpu.memory_space<vmem>> -> memref<128xf32, #tpu.memory_space<vmem>>
    %dma_start3A_63 = arith.constant 0 : i32
    %dma_start3A_64 = tpu.memref_slice %arg8[%dma_start3A_58, %dma_start3A_63] : memref<2x128xi32, #tpu.memory_space<vmem>> -> memref<1x128xi32, #tpu.memory_space<vmem>>
    %dma_start3A_65 = tpu.memref_squeeze %dma_start3A_64 : memref<1x128xi32, #tpu.memory_space<vmem>> -> memref<128xi32, #tpu.memory_space<vmem>>
    %dma_start3A_66 = arith.constant 0 : i32
    %dma_start3A_67 = tpu.memref_slice %arg4[%dma_start3A_66] : memref<294912xf32, #tpu.memory_space<hbm>> -> memref<294912xf32, #tpu.memory_space<hbm>>
    tpu.enqueue_indirect_dma source(%dma_start3A_67 : memref<294912xf32, #tpu.memory_space<hbm>>) target(%dma_start3A_62 : memref<128xf32, #tpu.memory_space<vmem>>) offsets(%dma_start3A_65 : memref<128xi32, #tpu.memory_space<vmem>>) semaphore(%arg12 : memref<!tpu.dma_semaphore, #tpu.memory_space<semaphore_mem>>)
    %dma_wait3A_68 = arith.constant 1 : i32
    %dma_wait3A_69 = arith.constant 1 : i32
    %dma_wait3A_70 = arith.constant 0 : i32
    %dma_wait3A_71 = tpu.memref_slice %arg10[%dma_wait3A_69, %dma_wait3A_70] : memref<2x128xf32, #tpu.memory_space<vmem>> -> memref<1x128xf32, #tpu.memory_space<vmem>>
    %dma_wait3A_72 = tpu.memref_squeeze %dma_wait3A_71 : memref<1x128xf32, #tpu.memory_space<vmem>> -> memref<128xf32, #tpu.memory_space<vmem>>
    %dma_wait3A_73 = arith.constant 0 : i32
    %dma_wait3A_74 = tpu.memref_slice %arg8[%dma_wait3A_68, %dma_wait3A_73] : memref<2x128xi32, #tpu.memory_space<vmem>> -> memref<1x128xi32, #tpu.memory_space<vmem>>
    %dma_wait3A_75 = tpu.memref_squeeze %dma_wait3A_74 : memref<1x128xi32, #tpu.memory_space<vmem>> -> memref<128xi32, #tpu.memory_space<vmem>>
    %dma_wait3A_76 = arith.constant 0 : i32
    %dma_wait3A_77 = tpu.memref_slice %arg4[%dma_wait3A_76] : memref<294912xf32, #tpu.memory_space<hbm>> -> memref<294912xf32, #tpu.memory_space<hbm>>
    tpu.wait_indirect_dma semaphore(%arg12 : memref<!tpu.dma_semaphore, #tpu.memory_space<semaphore_mem>>) src(%dma_wait3A_77 : memref<294912xf32, #tpu.memory_space<hbm>>) dst(%dma_wait3A_72 : memref<128xf32, #tpu.memory_space<vmem>>)
    %dma_start3A_78 = arith.constant 1 : i32
    %dma_start3A_79 = arith.constant 1 : i32
    %dma_start3A_80 = arith.constant 0 : i32
    %dma_start3A_81 = tpu.memref_slice %arg11[%dma_start3A_79, %dma_start3A_80] : memref<2x128xf32, #tpu.memory_space<vmem>> -> memref<1x128xf32, #tpu.memory_space<vmem>>
    %dma_start3A_82 = tpu.memref_squeeze %dma_start3A_81 : memref<1x128xf32, #tpu.memory_space<vmem>> -> memref<128xf32, #tpu.memory_space<vmem>>
    %dma_start3A_83 = arith.constant 0 : i32
    %dma_start3A_84 = tpu.memref_slice %arg9[%dma_start3A_78, %dma_start3A_83] : memref<2x128xi32, #tpu.memory_space<vmem>> -> memref<1x128xi32, #tpu.memory_space<vmem>>
    %dma_start3A_85 = tpu.memref_squeeze %dma_start3A_84 : memref<1x128xi32, #tpu.memory_space<vmem>> -> memref<128xi32, #tpu.memory_space<vmem>>
    %dma_start3A_86 = arith.constant 0 : i32
    %dma_start3A_87 = tpu.memref_slice %arg5[%dma_start3A_86] : memref<147456xf32, #tpu.memory_space<hbm>> -> memref<147456xf32, #tpu.memory_space<hbm>>
    tpu.enqueue_indirect_dma source(%dma_start3A_87 : memref<147456xf32, #tpu.memory_space<hbm>>) target(%dma_start3A_82 : memref<128xf32, #tpu.memory_space<vmem>>) offsets(%dma_start3A_85 : memref<128xi32, #tpu.memory_space<vmem>>) semaphore(%arg12 : memref<!tpu.dma_semaphore, #tpu.memory_space<semaphore_mem>>)
    %dma_wait3A_88 = arith.constant 1 : i32
    %dma_wait3A_89 = arith.constant 1 : i32
    %dma_wait3A_90 = arith.constant 0 : i32
    %dma_wait3A_91 = tpu.memref_slice %arg11[%dma_wait3A_89, %dma_wait3A_90] : memref<2x128xf32, #tpu.memory_space<vmem>> -> memref<1x128xf32, #tpu.memory_space<vmem>>
    %dma_wait3A_92 = tpu.memref_squeeze %dma_wait3A_91 : memref<1x128xf32, #tpu.memory_space<vmem>> -> memref<128xf32, #tpu.memory_space<vmem>>
    %dma_wait3A_93 = arith.constant 0 : i32
    %dma_wait3A_94 = tpu.memref_slice %arg9[%dma_wait3A_88, %dma_wait3A_93] : memref<2x128xi32, #tpu.memory_space<vmem>> -> memref<1x128xi32, #tpu.memory_space<vmem>>
    %dma_wait3A_95 = tpu.memref_squeeze %dma_wait3A_94 : memref<1x128xi32, #tpu.memory_space<vmem>> -> memref<128xi32, #tpu.memory_space<vmem>>
    %dma_wait3A_96 = arith.constant 0 : i32
    %dma_wait3A_97 = tpu.memref_slice %arg5[%dma_wait3A_96] : memref<147456xf32, #tpu.memory_space<hbm>> -> memref<147456xf32, #tpu.memory_space<hbm>>
    tpu.wait_indirect_dma semaphore(%arg12 : memref<!tpu.dma_semaphore, #tpu.memory_space<semaphore_mem>>) src(%dma_wait3A_97 : memref<147456xf32, #tpu.memory_space<hbm>>) dst(%dma_wait3A_92 : memref<128xf32, #tpu.memory_space<vmem>>)
    %add3A_98 = arith.constant 128 : i32
    %add3A_99 = arith.addi %mul3A_2, %add3A_98 : i32
    %run_scoped3A_100 = arith.constant 1 : i32
    "tpu.region"() ({
      %run_scoped3A_104 = tpu.sem_alloc : memref<!tpu.dma_semaphore, #tpu.memory_space<semaphore_mem>>
      %dma_start3A_105 = arith.constant 0 : i32
      %dma_start3A_106 = tpu.memref_slice %arg10[%run_scoped3A_100, %dma_start3A_105] : memref<2x128xf32, #tpu.memory_space<vmem>> -> memref<1x128xf32, #tpu.memory_space<vmem>>
      %dma_start3A_107 = tpu.memref_squeeze %dma_start3A_106 : memref<1x128xf32, #tpu.memory_space<vmem>> -> memref<128xf32, #tpu.memory_space<vmem>>
      %dma_start3A_108 = tpu.memref_slice %arg6[%add3A_99] : memref<8192xf32, #tpu.memory_space<hbm>> -> memref<128xf32, #tpu.memory_space<hbm>>
      %dma_start3A_109 = tpu.memref_slice %arg6[%add3A_99] : memref<8192xf32, #tpu.memory_space<hbm>> -> memref<128xf32, #tpu.memory_space<hbm>>
      %dma_start3A_110 = arith.constant 0 : i32
      %dma_start3A_111 = tpu.memref_slice %arg10[%run_scoped3A_100, %dma_start3A_110] : memref<2x128xf32, #tpu.memory_space<vmem>> -> memref<1x128xf32, #tpu.memory_space<vmem>>
      %dma_start3A_112 = tpu.memref_squeeze %dma_start3A_111 : memref<1x128xf32, #tpu.memory_space<vmem>> -> memref<128xf32, #tpu.memory_space<vmem>>
      tpu.enqueue_dma source(%dma_start3A_112 : memref<128xf32, #tpu.memory_space<vmem>>) target(%dma_start3A_109 : memref<128xf32, #tpu.memory_space<hbm>>) target_semaphore(%run_scoped3A_104 : memref<!tpu.dma_semaphore, #tpu.memory_space<semaphore_mem>>)
      %dma_wait3A_113 = arith.constant 0 : i32
      %dma_wait3A_114 = tpu.memref_slice %arg10[%run_scoped3A_100, %dma_wait3A_113] : memref<2x128xf32, #tpu.memory_space<vmem>> -> memref<1x128xf32, #tpu.memory_space<vmem>>
      %dma_wait3A_115 = tpu.memref_squeeze %dma_wait3A_114 : memref<1x128xf32, #tpu.memory_space<vmem>> -> memref<128xf32, #tpu.memory_space<vmem>>
      %dma_wait3A_116 = tpu.memref_slice %arg6[%add3A_99] : memref<8192xf32, #tpu.memory_space<hbm>> -> memref<128xf32, #tpu.memory_space<hbm>>
      %dma_wait3A_117 = tpu.memref_slice %arg6[%add3A_99] : memref<8192xf32, #tpu.memory_space<hbm>> -> memref<128xf32, #tpu.memory_space<hbm>>
      %dma_wait3A_118 = arith.constant 0 : i32
      %dma_wait3A_119 = tpu.memref_slice %arg10[%run_scoped3A_100, %dma_wait3A_118] : memref<2x128xf32, #tpu.memory_space<vmem>> -> memref<1x128xf32, #tpu.memory_space<vmem>>
      %dma_wait3A_120 = tpu.memref_squeeze %dma_wait3A_119 : memref<1x128xf32, #tpu.memory_space<vmem>> -> memref<128xf32, #tpu.memory_space<vmem>>
      tpu.wait_dma2 semaphore(%run_scoped3A_104 : memref<!tpu.dma_semaphore, #tpu.memory_space<semaphore_mem>>) src(%dma_wait3A_120 : memref<128xf32, #tpu.memory_space<vmem>>) dst(%dma_wait3A_117 : memref<128xf32, #tpu.memory_space<hbm>>)
      tpu.yield
    }) : () -> ()
    %add3A_101 = arith.constant 128 : i32
    %add3A_102 = arith.addi %mul3A_2, %add3A_101 : i32
    %run_scoped3A_103 = arith.constant 1 : i32
    "tpu.region"() ({
      %run_scoped3A_104 = tpu.sem_alloc : memref<!tpu.dma_semaphore, #tpu.memory_space<semaphore_mem>>
      %dma_start3A_105 = arith.constant 0 : i32
      %dma_start3A_106 = tpu.memref_slice %arg11[%run_scoped3A_103, %dma_start3A_105] : memref<2x128xf32, #tpu.memory_space<vmem>> -> memref<1x128xf32, #tpu.memory_space<vmem>>
      %dma_start3A_107 = tpu.memref_squeeze %dma_start3A_106 : memref<1x128xf32, #tpu.memory_space<vmem>> -> memref<128xf32, #tpu.memory_space<vmem>>
      %dma_start3A_108 = tpu.memref_slice %arg7[%add3A_102] : memref<8192xf32, #tpu.memory_space<hbm>> -> memref<128xf32, #tpu.memory_space<hbm>>
      %dma_start3A_109 = tpu.memref_slice %arg7[%add3A_102] : memref<8192xf32, #tpu.memory_space<hbm>> -> memref<128xf32, #tpu.memory_space<hbm>>
      %dma_start3A_110 = arith.constant 0 : i32
      %dma_start3A_111 = tpu.memref_slice %arg11[%run_scoped3A_103, %dma_start3A_110] : memref<2x128xf32, #tpu.memory_space<vmem>> -> memref<1x128xf32, #tpu.memory_space<vmem>>
      %dma_start3A_112 = tpu.memref_squeeze %dma_start3A_111 : memref<1x128xf32, #tpu.memory_space<vmem>> -> memref<128xf32, #tpu.memory_space<vmem>>
      tpu.enqueue_dma source(%dma_start3A_112 : memref<128xf32, #tpu.memory_space<vmem>>) target(%dma_start3A_109 : memref<128xf32, #tpu.memory_space<hbm>>) target_semaphore(%run_scoped3A_104 : memref<!tpu.dma_semaphore, #tpu.memory_space<semaphore_mem>>)
      %dma_wait3A_113 = arith.constant 0 : i32
      %dma_wait3A_114 = tpu.memref_slice %arg11[%run_scoped3A_103, %dma_wait3A_113] : memref<2x128xf32, #tpu.memory_space<vmem>> -> memref<1x128xf32, #tpu.memory_space<vmem>>
      %dma_wait3A_115 = tpu.memref_squeeze %dma_wait3A_114 : memref<1x128xf32, #tpu.memory_space<vmem>> -> memref<128xf32, #tpu.memory_space<vmem>>
      %dma_wait3A_116 = tpu.memref_slice %arg7[%add3A_102] : memref<8192xf32, #tpu.memory_space<hbm>> -> memref<128xf32, #tpu.memory_space<hbm>>
      %dma_wait3A_117 = tpu.memref_slice %arg7[%add3A_102] : memref<8192xf32, #tpu.memory_space<hbm>> -> memref<128xf32, #tpu.memory_space<hbm>>
      %dma_wait3A_118 = arith.constant 0 : i32
      %dma_wait3A_119 = tpu.memref_slice %arg11[%run_scoped3A_103, %dma_wait3A_118] : memref<2x128xf32, #tpu.memory_space<vmem>> -> memref<1x128xf32, #tpu.memory_space<vmem>>
      %dma_wait3A_120 = tpu.memref_squeeze %dma_wait3A_119 : memref<1x128xf32, #tpu.memory_space<vmem>> -> memref<128xf32, #tpu.memory_space<vmem>>
      tpu.wait_dma2 semaphore(%run_scoped3A_104 : memref<!tpu.dma_semaphore, #tpu.memory_space<semaphore_mem>>) src(%dma_wait3A_120 : memref<128xf32, #tpu.memory_space<vmem>>) dst(%dma_wait3A_117 : memref<128xf32, #tpu.memory_space<hbm>>)
      tpu.yield
    }) : () -> ()
    return
  }
}

module attributes {stable_mosaic.version = 14 : i64} {
  func.func @_nms_body(%arg0: i32, %arg1: memref<1x8x128xf32, #tpu.memory_space<vmem>>, %arg2: memref<1x8x128xf32, #tpu.memory_space<vmem>>, %arg3: memref<1x8x128xf32, #tpu.memory_space<vmem>>, %arg4: memref<1x8x128xf32, #tpu.memory_space<vmem>>, %arg5: memref<1x1x1024xf32, #tpu.memory_space<smem>>, %arg6: memref<1x1x1024xf32, #tpu.memory_space<smem>>, %arg7: memref<1x1x1024xf32, #tpu.memory_space<smem>>, %arg8: memref<1x1x1024xf32, #tpu.memory_space<smem>>, %arg9: memref<1x8x128xf32, #tpu.memory_space<vmem>>) attributes {dimension_semantics = [#tpu.dimension_semantics<arbitrary>], iteration_bounds = array<i64: 2>, scalar_prefetch = 0 : i64, scratch_operands = 0 : i64, tpu.core_type = #tpu.core_type<tc>, window_params = [{transform_indices = @transform_0, window_bounds = array<i64: 1, 8, 128>}, {transform_indices = @transform_1, window_bounds = array<i64: 1, 8, 128>}, {transform_indices = @transform_2, window_bounds = array<i64: 1, 8, 128>}, {transform_indices = @transform_3, window_bounds = array<i64: 1, 8, 128>}, {transform_indices = @transform_4, window_bounds = array<i64: 1, 1, 1024>}, {transform_indices = @transform_5, window_bounds = array<i64: 1, 1, 1024>}, {transform_indices = @transform_6, window_bounds = array<i64: 1, 1, 1024>}, {transform_indices = @transform_7, window_bounds = array<i64: 1, 1, 1024>}, {transform_indices = @transform_8, window_bounds = array<i64: 1, 8, 128>}]} {
    %get3A = arith.constant 0 : index
    %get3A_0 = arith.constant 0 : index
    %get3A_1 = arith.constant 0 : index
    %get3A_2 = vector.load %arg1[%get3A, %get3A_0, %get3A_1] : memref<1x8x128xf32, #tpu.memory_space<vmem>>, vector<1x8x128xf32>
    %get3A_3 = vector.shape_cast %get3A_2 : vector<1x8x128xf32> to vector<8x128xf32>
    %get3A_4 = arith.constant 0 : index
    %get3A_5 = arith.constant 0 : index
    %get3A_6 = arith.constant 0 : index
    %get3A_7 = vector.load %arg2[%get3A_4, %get3A_5, %get3A_6] : memref<1x8x128xf32, #tpu.memory_space<vmem>>, vector<1x8x128xf32>
    %get3A_8 = vector.shape_cast %get3A_7 : vector<1x8x128xf32> to vector<8x128xf32>
    %get3A_9 = arith.constant 0 : index
    %get3A_10 = arith.constant 0 : index
    %get3A_11 = arith.constant 0 : index
    %get3A_12 = vector.load %arg3[%get3A_9, %get3A_10, %get3A_11] : memref<1x8x128xf32, #tpu.memory_space<vmem>>, vector<1x8x128xf32>
    %get3A_13 = vector.shape_cast %get3A_12 : vector<1x8x128xf32> to vector<8x128xf32>
    %get3A_14 = arith.constant 0 : index
    %get3A_15 = arith.constant 0 : index
    %get3A_16 = arith.constant 0 : index
    %get3A_17 = vector.load %arg4[%get3A_14, %get3A_15, %get3A_16] : memref<1x8x128xf32, #tpu.memory_space<vmem>>, vector<1x8x128xf32>
    %get3A_18 = vector.shape_cast %get3A_17 : vector<1x8x128xf32> to vector<8x128xf32>
    %sub3A = arith.subf %get3A_13, %get3A_3 : vector<8x128xf32>
    %sub3A_19 = arith.subf %get3A_18, %get3A_8 : vector<8x128xf32>
    %mul3A = arith.mulf %sub3A, %sub3A_19 : vector<8x128xf32>
    %iota3A = tpu.iota {dimensions = array<i32: 0>} : vector<8x128xi32>
    %mul3A_20 = arith.constant 128 : i32
    %mul3A_21 = vector.broadcast %mul3A_20 : i32 to vector<8x128xi32>
    %mul3A_22 = arith.muli %iota3A, %mul3A_21 : vector<8x128xi32>
    %iota3A_23 = tpu.iota {dimensions = array<i32: 1>} : vector<8x128xi32>
    %add3A = arith.addi %mul3A_22, %iota3A_23 : vector<8x128xi32>
    %broadcast_in_dim3A = arith.constant 1.000000e+00 : f32
    %broadcast_in_dim3A_24 = vector.broadcast %broadcast_in_dim3A : f32 to vector<8x128xf32>
    %swap3A = arith.constant 0 : index
    %swap3A_25 = arith.constant 0 : index
    %swap3A_26 = arith.constant 0 : index
    %swap3A_27 = vector.load %arg9[%swap3A, %swap3A_25, %swap3A_26] : memref<1x8x128xf32, #tpu.memory_space<vmem>>, vector<1x8x128xf32>
    %swap3A_28 = vector.shape_cast %swap3A_27 : vector<1x8x128xf32> to vector<8x128xf32>
    %swap3A_29 = vector.shape_cast %broadcast_in_dim3A_24 : vector<8x128xf32> to vector<1x8x128xf32>
    tpu.vector_store %arg9[%swap3A, %swap3A_25, %swap3A_26], %swap3A_29 {strides = array<i32>} : memref<1x8x128xf32, #tpu.memory_space<vmem>>, vector<1x8x128xf32>,
    %scan3A = arith.constant 0 : i32
    %scan3A_30 = arith.constant 1000 : i32
    %scan3A_31 = arith.addi %scan3A, %scan3A_30 : i32
    %scan3A_32 = arith.constant 1 : i32
    scf.for %scan3A_34 = %scan3A to %scan3A_31 step %scan3A_32  : i32 {
      %get3A_35 = arith.constant 0 : index
      %get3A_36 = arith.constant 0 : index
      %get3A_37 = arith.constant 0 : index
      %get3A_38 = vector.load %arg9[%get3A_35, %get3A_36, %get3A_37] : memref<1x8x128xf32, #tpu.memory_space<vmem>>, vector<1x8x128xf32>
      %get3A_39 = vector.shape_cast %get3A_38 : vector<1x8x128xf32> to vector<8x128xf32>
      %eq3A = vector.broadcast %scan3A_34 : i32 to vector<8x128xi32>
      %eq3A_40 = arith.cmpi eq, %add3A, %eq3A : vector<8x128xi32>
      %jit3A = arith.constant 0.000000e+00 : f32
      %broadcast_in_dim3A_41 = vector.broadcast %jit3A : f32 to vector<8x128xf32>
      %select_n3A = arith.select %eq3A_40, %get3A_39, %broadcast_in_dim3A_41 : vector<8x128xi1>, vector<8x128xf32>
      %reduce_max3A = vector.shape_cast %select_n3A : vector<8x128xf32> to vector<1x8x128xf32>
      %reduce_max3A_42 = arith.constant dense<0xFF800000> : vector<1xf32>
      %reduce_max3A_43 = vector.multi_reduction <maximumf>, %reduce_max3A, %reduce_max3A_42 [1, 2] : vector<1x8x128xf32> to vector<1xf32>
      %reduce_max3A_44 = vector.shape_cast %reduce_max3A_43 : vector<1xf32> to vector<1x1x1xf32>
      %reduce_max3A_45 = vector.extract %reduce_max3A_44[0, 0, 0] : f32 from vector<1x1x1xf32>
      %gt3A = arith.constant 0.000000e+00 : f32
      %gt3A_46 = arith.cmpf ogt, %reduce_max3A_45, %gt3A : f32
      %convert_element_type3A = arith.extui %gt3A_46 : i1 to i32
      %cond3A = arith.constant 0 : i32
      %cond3A_47 = arith.cmpi ne, %convert_element_type3A, %cond3A : i32
      scf.if %cond3A_47 {
        %get3A_48 = arith.constant 0 : index
        %get3A_49 = arith.constant 0 : index
        %get3A_50 = arith.index_cast %scan3A_34 : i32 to index
        %get3A_51 = memref.load %arg5[%get3A_48, %get3A_49, %get3A_50] : memref<1x1x1024xf32, #tpu.memory_space<smem>>
        %get3A_52 = arith.constant 0 : index
        %get3A_53 = arith.constant 0 : index
        %get3A_54 = arith.index_cast %scan3A_34 : i32 to index
        %get3A_55 = memref.load %arg6[%get3A_52, %get3A_53, %get3A_54] : memref<1x1x1024xf32, #tpu.memory_space<smem>>
        %get3A_56 = arith.constant 0 : index
        %get3A_57 = arith.constant 0 : index
        %get3A_58 = arith.index_cast %scan3A_34 : i32 to index
        %get3A_59 = memref.load %arg7[%get3A_56, %get3A_57, %get3A_58] : memref<1x1x1024xf32, #tpu.memory_space<smem>>
        %get3A_60 = arith.constant 0 : index
        %get3A_61 = arith.constant 0 : index
        %get3A_62 = arith.index_cast %scan3A_34 : i32 to index
        %get3A_63 = memref.load %arg8[%get3A_60, %get3A_61, %get3A_62] : memref<1x1x1024xf32, #tpu.memory_space<smem>>
        %sub3A_64 = arith.subf %get3A_59, %get3A_51 : f32
        %sub3A_65 = arith.subf %get3A_63, %get3A_55 : f32
        %mul3A_66 = arith.mulf %sub3A_64, %sub3A_65 : f32
        %max3A = vector.broadcast %get3A_51 : f32 to vector<8x128xf32>
        %max3A_67 = arith.maximumf %max3A, %get3A_3 : vector<8x128xf32>
        %max3A_68 = vector.broadcast %get3A_55 : f32 to vector<8x128xf32>
        %max3A_69 = arith.maximumf %max3A_68, %get3A_8 : vector<8x128xf32>
        %min3A = vector.broadcast %get3A_59 : f32 to vector<8x128xf32>
        %min3A_70 = arith.minimumf %min3A, %get3A_13 : vector<8x128xf32>
        %min3A_71 = vector.broadcast %get3A_63 : f32 to vector<8x128xf32>
        %min3A_72 = arith.minimumf %min3A_71, %get3A_18 : vector<8x128xf32>
        %sub3A_73 = arith.subf %min3A_70, %max3A_67 : vector<8x128xf32>
        %jit3A_74 = arith.constant 0.000000e+00 : f32
        %max3A_75 = vector.broadcast %jit3A_74 : f32 to vector<8x128xf32>
        %max3A_76 = arith.maximumf %max3A_75, %sub3A_73 : vector<8x128xf32>
        %sub3A_77 = arith.subf %min3A_72, %max3A_69 : vector<8x128xf32>
        %jit3A_78 = arith.constant 0.000000e+00 : f32
        %max3A_79 = vector.broadcast %jit3A_78 : f32 to vector<8x128xf32>
        %max3A_80 = arith.maximumf %max3A_79, %sub3A_77 : vector<8x128xf32>
        %mul3A_81 = arith.mulf %max3A_76, %max3A_80 : vector<8x128xf32>
        %add3A_82 = vector.broadcast %mul3A_66 : f32 to vector<8x128xf32>
        %add3A_83 = arith.addf %add3A_82, %mul3A : vector<8x128xf32>
        %sub3A_84 = arith.subf %add3A_83, %mul3A_81 : vector<8x128xf32>
        %add3A_85 = arith.constant 9.99999971E-10 : f32
        %add3A_86 = vector.broadcast %add3A_85 : f32 to vector<8x128xf32>
        %add3A_87 = arith.addf %sub3A_84, %add3A_86 : vector<8x128xf32>
        %div3A = arith.divf %mul3A_81, %add3A_87 : vector<8x128xf32>
        %gt3A_88 = arith.constant 0.699999988 : f32
        %gt3A_89 = vector.broadcast %gt3A_88 : f32 to vector<8x128xf32>
        %gt3A_90 = arith.cmpf ogt, %div3A, %gt3A_89 : vector<8x128xf32>
        %gt3A_91 = vector.broadcast %scan3A_34 : i32 to vector<8x128xi32>
        %gt3A_92 = arith.cmpi sgt, %add3A, %gt3A_91 : vector<8x128xi32>
        %and3A = arith.andi %gt3A_90, %gt3A_92 : vector<8x128xi1>
        %jit3A_93 = arith.constant 0.000000e+00 : f32
        %broadcast_in_dim3A_94 = vector.broadcast %jit3A_93 : f32 to vector<8x128xf32>
        %select_n3A_95 = arith.select %and3A, %broadcast_in_dim3A_94, %get3A_39 : vector<8x128xi1>, vector<8x128xf32>
        %swap3A_96 = arith.constant 0 : index
        %swap3A_97 = arith.constant 0 : index
        %swap3A_98 = arith.constant 0 : index
        %swap3A_99 = vector.load %arg9[%swap3A_96, %swap3A_97, %swap3A_98] : memref<1x8x128xf32, #tpu.memory_space<vmem>>, vector<1x8x128xf32>
        %swap3A_100 = vector.shape_cast %swap3A_99 : vector<1x8x128xf32> to vector<8x128xf32>
        %swap3A_101 = vector.shape_cast %select_n3A_95 : vector<8x128xf32> to vector<1x8x128xf32>
        tpu.vector_store %arg9[%swap3A_96, %swap3A_97, %swap3A_98], %swap3A_101 {strides = array<i32>} : memref<1x8x128xf32, #tpu.memory_space<vmem>>, vector<1x8x128xf32>,
      } else {
      }
    }
    %scan3A_33 = arith.constant 1000 : i32
    return
  }
  func.func @transform_0(%arg0: i32) -> (i32, i32, i32) {
    %c0_i32 = arith.constant 0 : i32
    %c0_i32_0 = arith.constant 0 : i32
    %c0_i32_1 = arith.constant 0 : i32
    return %arg0, %c0_i32, %c0_i32_0 : i32, i32, i32
  }
  func.func @transform_1(%arg0: i32) -> (i32, i32, i32) {
    %c0_i32 = arith.constant 0 : i32
    %c0_i32_0 = arith.constant 0 : i32
    %c0_i32_1 = arith.constant 0 : i32
    return %arg0, %c0_i32, %c0_i32_0 : i32, i32, i32
  }
  func.func @transform_2(%arg0: i32) -> (i32, i32, i32) {
    %c0_i32 = arith.constant 0 : i32
    %c0_i32_0 = arith.constant 0 : i32
    %c0_i32_1 = arith.constant 0 : i32
    return %arg0, %c0_i32, %c0_i32_0 : i32, i32, i32
  }
  func.func @transform_3(%arg0: i32) -> (i32, i32, i32) {
    %c0_i32 = arith.constant 0 : i32
    %c0_i32_0 = arith.constant 0 : i32
    %c0_i32_1 = arith.constant 0 : i32
    return %arg0, %c0_i32, %c0_i32_0 : i32, i32, i32
  }
  func.func @transform_4(%arg0: i32) -> (i32, i32, i32) {
    %c0_i32 = arith.constant 0 : i32
    %c0_i32_0 = arith.constant 0 : i32
    %c0_i32_1 = arith.constant 0 : i32
    return %arg0, %c0_i32, %c0_i32_0 : i32, i32, i32
  }
  func.func @transform_5(%arg0: i32) -> (i32, i32, i32) {
    %c0_i32 = arith.constant 0 : i32
    %c0_i32_0 = arith.constant 0 : i32
    %c0_i32_1 = arith.constant 0 : i32
    return %arg0, %c0_i32, %c0_i32_0 : i32, i32, i32
  }
  func.func @transform_6(%arg0: i32) -> (i32, i32, i32) {
    %c0_i32 = arith.constant 0 : i32
    %c0_i32_0 = arith.constant 0 : i32
    %c0_i32_1 = arith.constant 0 : i32
    return %arg0, %c0_i32, %c0_i32_0 : i32, i32, i32
  }
  func.func @transform_7(%arg0: i32) -> (i32, i32, i32) {
    %c0_i32 = arith.constant 0 : i32
    %c0_i32_0 = arith.constant 0 : i32
    %c0_i32_1 = arith.constant 0 : i32
    return %arg0, %c0_i32, %c0_i32_0 : i32, i32, i32
  }
  func.func @transform_8(%arg0: i32) -> (i32, i32, i32) {
    %c0_i32 = arith.constant 0 : i32
    %c0_i32_0 = arith.constant 0 : i32
    %c0_i32_1 = arith.constant 0 : i32
    return %arg0, %c0_i32, %c0_i32_0 : i32, i32, i32
  }
}

</mosaic_0001>

<sc_bundles>
// kernel: kernel.4.cloned.1.call-start
scs
__scs_entry_jumppad:
0x0: {  	(pc) =	sbr.rel $0x88, $3  }
0x1: {  	(tag) =	ssettag $0x0;
	lr =	simm.s32 $0x1  }
0x2: {  	[smem:$0x3F9A] =	sst lr;
	_ =	strace $0xD0000000  }
0x3: {  	_ = 	snop  }
0x4: {  	_ = 	snop  }
0x5: {  	_ = 	snop  }
0x6: {  	_ = 	snop  }
0x7: {  	_ = 	snop  }
__scs_overlays_trampoline_lowered:
0x8: {  	[smem:$0x3FA9] =	sst s0  }
0x9: {  	[smem:$0x3FAA] =	sst s1  }
0xa: {  	[smem:$0x3FAB] =	sst s2  }
0xb: {  	[smem:$0x3FAC] =	sst s3  }
0xc: {  	[smem:$0x3FAD] =	sst s4  }
0xd: {  	[smem:$0x3FAE] =	sst s5  }
0xe: {  	[smem:$0x3FAF] =	sst s6  }
0xf: {  	[smem:$0x3FB0] =	sst s7  }
0x10: {  	[smem:$0x3FB1] =	sst s8  }
0x11: {  	[smem:$0x3FB2] =	sst s9;
	s0 =	simm.s32 @!p0 $0x0  }
0x12: {  	s1 =	sld [smem:$0x3F98];
	s0 =	simm.s32 @p0 $0x1  }
0x13: {  	[smem:$0x3FB3] =	sst s0;
	s0 =	simm.s32 @!p1 $0x0  }
0x14: {  	s2 =	sld [smem:$0x3F97];
	s0 =	simm.s32 @p1 $0x1  }
0x15: {  	[smem:$0x3FB4] =	sst s0;
	s0 =	simm.s32 @!p2 $0x0  }
0x16: {  	s3 =	sld [smem:$0x3FDB];
	s0 =	simm.s32 @p2 $0x1  }
0x17: {  	s4 =	simm.s32 $0x1BF5;
	[smem:$0x3FB6] =	sst s0  }
0x18: {  	s0 =	sld [smem:$0x3F99];
	_ =	swait.ge [sflag:s4], $0x0  }
0x19: {  	s7 =	sld [smem:$0x3F9A]  }
0x1a: {  	s8 =	sadd.s32 $0xFFFFE003, lr  }
0x1b: {  	s9 =	sadd.s32 $0xFFFFFEF7, lr;
	s5 =	simm.s32 $0xFFFFFFFF;
	p2 =	slt.u32 s8, $0xFFFFF086  }
0x1c: {  	p1 =	slt.u32 s9, $0xF7A;
	s5 =	simm.s32 @!p2 $0x0  }
0x1d: {  	s5 =	simm.s32 @p1 $0x1;
	p0 =	seq.s32 s7, s2  }
0x1e: {  	s7 =	smul.u32 @!p0 $0xF7A, s2;
	p2 =	seq.s32 @!p0 s5, $0x0  }
0x1f: {  	s9 =	smul.u32 $0xF7A, s1;
	s8 =	simm.s32 @!p0 $0x1BF5;
	p2 =	por !p2, p0  }
0x20: {  	[sflag:s8] =	ssyncset.s32 @!p0 $0xFFFFF086;
	s6 =	sadd.s32 @!p0 s3, s7;
	s7 =	simm.s32 @!p0 $0x108  }
0x21: {  	s3 =	sadd.s32 s3, s9;
	s6 =	sadd.s32 @!p0 $0x88, s6;
	s7 =	simm.s32 @p2 $0x1082  }
0x22: {  	[simem:s7], [sflag:s8] =	dma.local @!p0 [hbm:s6], $0xF7A  }
0x23: {  	s9 =	sor.u32 $0xD0000000, s2;
	s6 =	simm.s32 $0x108;
	_ =	swait.ge @!p0 [sflag:s8], $0x0  }
0x24: {  	s3 =	sadd.s32 $0x88, s3;
	s6 =	simm.s32 @!p1 $0x1082;
	[sflag:s4] =	ssyncset.s32 $0xFFFFF086  }
0x25: {  	[simem:s6], [sflag:s4] =	dma.local [hbm:s3], $0xF7A  }
0x26: {  	[smem:$0x3F9A] =	sst s1;
	(tag) =	ssettag s2;
	_ =	strace s9  }
0x27: {  	s1 =	sld [smem:$0x3FAA]  }
0x28: {  	s2 =	sld [smem:$0x3FAB]  }
0x29: {  	s4 =	sld [smem:$0x3FAD]  }
0x2a: {  	p0 =	seq.s32 s5, $0x0;
	s5 =	sld [smem:$0x3FAE]  }
0x2b: {  	s6 =	sld [smem:$0x3FAF]  }
0x2c: {  	s7 =	sld [smem:$0x3FB0]  }
0x2d: {  	s3 =	simm.s32 $0x108;
	s8 =	sld [smem:$0x3FB1]  }
0x2e: {  	s3 =	simm.s32 @!p0 $0x1082;
	s9 =	sld [smem:$0x3FB2]  }
0x2f: {  	lr =	sadd.s32 s0, s3;
	s0 =	sld [smem:$0x3FA9]  }
0x30: {  	s3 =	sld [smem:$0x3FAC]  }
0x31: {  	[smem:$0x3FB5] =	sst s10  }
0x32: {  	s10 =	sld [smem:$0x3FB3];
	_ =	sdelay $0x3  }
0x33: {  	p0 =	seq.s32 s10, $0x1;
	s10 =	sld [smem:$0x3FB5];
	_ =	sdelay $0x3  }
0x34: {  	[smem:$0x3FB5] =	sst s10  }
0x35: {  	s10 =	sld [smem:$0x3FB4];
	_ =	sdelay $0x3  }
0x36: {  	p1 =	seq.s32 s10, $0x1;
	s10 =	sld [smem:$0x3FB5];
	_ =	sdelay $0x3  }
0x37: {  	[smem:$0x3FB5] =	sst s10  }
0x38: {  	s10 =	sld [smem:$0x3FB6]  }
0x39: {  	_ = 	snop;
	(pc) =	sbr.ind lr, $3  }
0x3a: {  	_ = 	snop  }
0x3b: {  	_ = 	snop  }
0x3c: {  	p2 =	seq.s32 s10, $0x1;
	s10 =	sld [smem:$0x3FB5]  }
0x3d: {  	_ =	shalt  }
0x3e: {  	_ =	shalt  }
0x3f: {  	_ =	shalt  }
0x40: {  	_ =	shalt  }
0x41: {  	_ =	shalt  }
0x42: {  	_ =	shalt  }
0x43: {  	_ =	shalt  }
0x44: {  	_ =	shalt  }
0x45: {  	_ =	shalt  }
0x46: {  	_ =	shalt  }
0x47: {  	_ =	shalt  }
0x48: {  	_ =	shalt  }
0x49: {  	_ =	shalt  }
0x4a: {  	_ =	shalt  }
0x4b: {  	_ =	shalt  }
0x4c: {  	_ =	shalt  }
0x4d: {  	_ =	shalt  }
0x4e: {  	_ =	shalt  }
0x4f: {  	_ =	shalt  }
0x50: {  	_ =	shalt  }
0x51: {  	_ =	shalt  }
0x52: {  	_ =	shalt  }
0x53: {  	_ =	shalt  }
0x54: {  	_ =	shalt  }
0x55: {  	_ =	shalt  }
0x56: {  	_ =	shalt  }
0x57: {  	_ =	shalt  }
0x58: {  	_ =	shalt  }
0x59: {  	_ =	shalt  }
0x5a: {  	_ =	shalt  }
0x5b: {  	_ =	shalt  }
0x5c: {  	_ =	shalt  }
0x5d: {  	_ =	shalt  }
0x5e: {  	_ =	shalt  }
0x5f: {  	_ =	shalt  }
0x60: {  	_ =	shalt  }
0x61: {  	_ =	shalt  }
0x62: {  	_ =	shalt  }
0x63: {  	_ =	shalt  }
0x64: {  	_ =	shalt  }
0x65: {  	_ =	shalt  }
0x66: {  	_ =	shalt  }
0x67: {  	_ =	shalt  }
0x68: {  	_ =	shalt  }
0x69: {  	_ =	shalt  }
0x6a: {  	_ =	shalt  }
0x6b: {  	_ =	shalt  }
0x6c: {  	_ =	shalt  }
0x6d: {  	_ =	shalt  }
0x6e: {  	_ =	shalt  }
0x6f: {  	_ =	shalt  }
0x70: {  	_ =	shalt  }
0x71: {  	_ =	shalt  }
0x72: {  	_ =	shalt  }
0x73: {  	_ =	shalt  }
0x74: {  	_ =	shalt  }
0x75: {  	_ =	shalt  }
0x76: {  	_ =	shalt  }
0x77: {  	_ =	shalt  }
0x78: {  	_ =	shalt  }
0x79: {  	_ =	shalt  }
0x7a: {  	_ =	shalt  }
0x7b: {  	_ =	shalt  }
0x7c: {  	_ =	shalt  }
0x7d: {  	_ =	shalt  }
0x7e: {  	_ =	shalt  }
0x7f: {  	_ =	shalt  }
0x80: {  	_ =	shalt  }
0x81: {  	_ =	shalt  }
0x82: {  	_ =	shalt  }
0x83: {  	_ =	shalt  }
0x84: {  	_ =	shalt  }
0x85: {  	_ =	shalt  }
0x86: {  	_ =	shalt  }
0x87: {  	_ =	shalt  }
.Lfunc_end0:
.L_simem_size_0:
called_computation_lowered:
.L_overlay_start_0:
0x88: {  	s2 =	sld [smem:$0x3FD9]  }
0x89: {  	s3 =	sld [smem:$0x3FFE];
	_ =	sdelay $0x1  }
0x8a: {  	s1 =	srdreg.scid  }
0x8b: {  	s0 =	sand.u32 $0x1, s1  }
0x8c: {  	s16 =	sshll.u32 s0, $0xA;
	s2 =	sadd.s32 s3, s2  }
0x8d: {  	s2 =	sadd.s32 s2, s16  }
0x8e: {  	[smem:$0x3FC1] =	sst s2  }
0x8f: {  	_ = 	snop  }
0x90: {  	(tm) =	ssettm $0x1  }
0x91: {  	s17 =	sld [smem:$0x3FFB];
	_ =	sdelay $0x3  }
0x92: {  	_ =	strace s17  }
0x93: {  	s2 =	sld [smem:$0x3FFC];
	_ =	sdelay $0x3  }
0x94: {  	_ =	strace s2  }
0x95: {  	s2 =	sld [smem:$0x3FFD];
	_ =	sdelay $0x3  }
0x96: {  	_ =	strace s2  }
0x97: {  	_ =	strace $0x8FFFFFFF  }
0x98: {  	s18 =	sld [smem:$0x3FDB];
	_ =	sdelay $0x1  }
0x99: {  	s19 =	simm.s32 $_scs_section_size  }
0x9a: {  	s4 =	simm.s32 $_size__tile_overlayer_lowered;
	s5 =	simm.s32 $_tile_overlayer_lowered  }
0x9b: {  	s22 =	simm.s32 $0x1BFF;
	s21 =	sshll.u32 s5, $0x1;
	s2 =	sadd.s32 s19, s18  }
0x9c: {  	s6 =	simm.s32 $0x0;
	s20 =	sshll.u32 s4, $0x1;
	s4 =	sadd.s32 s21, s2  }
0x9d: {  	[timem:s6], [sflag:s22] =	dma.local [hbm:s4], s20  }
0x9e: {  	_ =	swait.ge [sflag:s22], s20  }
0x9f: {  	s3 =	ssub.s32 $0x0, s20;
	[sflag:s22] =	ssyncset.done $0x0  }
0xa0: {  	[sflag:s22] =	ssyncadd.s32 s3;
	_ =	sdelay $0x1  }
0xa1: {  	s23 =	simm.s32 $0x1B8B  }
0xa2: {  	_ =	swait.ge [sflag:s23], $0x1  }
0xa3: {  	[sflag:s23] =	ssyncset.done $0x0  }
0xa4: {  	s25 =	simm.s32 $0x1B8E;
	s24 =	sld [smem:$0x3FFE];
	[sflag:s23] =	ssyncadd.s32 $0xFFFFFFFF  }
0xa5: {  	s26 =	simm.s32 $execute0_lowered;
	[smem:$0x3FD2] =	sst s25  }
0xa6: {  	s4 =	sshll.u32 s26, $0x1;
	_ =	strace $0x80000046;
	[dreg:$0x1] =	wrdreg $0xFFFFFFFF  }
0xa7: {  	s28 =	simm.s32 $_size_execute0_lowered;
	s2 =	sadd.s32 s2, s4;
	[dreg:$0x0] =	wrdreg $0x0  }
0xa8: {  	s4 =	sshll.u32 s28, $0x1;
	[dreg:$0x2] =	wrdreg s2  }
0xa9: {  	[dreg:$0x3] =	wrdreg s4  }
0xaa: {  	[dreg:$0x4] =	wrdreg $0xC0  }
0xab: {  	_ =	task [dreg:s6], $0x5FFFF  }
0xac: {  	[dreg:$0x1] =	wrdreg $0xFFFFFFFF  }
0xad: {  	[dreg:$0x0] =	wrdreg $0x60  }
0xae: {  	[dreg:$0x2] =	wrdreg s24  }
0xaf: {  	[dreg:$0x3] =	wrdreg $0x9  }
0xb0: {  	_ =	task.clear_ibuf [dreg:s6], $0x4FFFF;
	_ =	strace $0x90000046  }
0xb1: {  	s29 =	simm.s32 $0x9;
	_ =	strace $0x80000048  }
0xb2: {  	_ =	swait.ge [sflag:s29], $0x1  }
0xb3: {  	[sflag:s29] =	ssyncadd.s32 $0xFFFFFFFF  }
0xb4: {  	_ =	strace $0x90000048  }
0xb5: {  	_ =	sfence  }
0xb6: {  	s30 =	sld [smem:$0x0];
	_ =	sdelay $0x2  }
0xb7: {  	s31 =	sshll.u32 s1, $0xD;
	s1 =	sshrl.u32 s1, $0x2  }
0xb8: {  	s3 =	sand.u32 $0x4000, s31;
	s1 =	sadd.s32 s1, s30  }
0xb9: {  	s0 =	sor.u32 s3, s0;
	s1 =	sshll.u32 s1, $0x11  }
0xba: {  	s0 =	sor.u32 s1, s0  }
0xbb: {  	s0 =	sadd.s32 $0x8F2B, s0  }
0xbc: {  	[sflag:s0] =	ssyncadd.remote.s32 $0x1  }
0xbd: {  	_ =	sfence.sel $0xFFFF  }
0xbe: {  	[dreg:$0x0] =	wrdreg $0xFFFFFFFF;
	(pc) =	sbr.abs _section_cstart, $3  }
0xbf: {  	[dreg:$0x1] =	wrdreg $0xFFFFFFFF  }
0xc0: {  	_ =	task.clear_ibuf [dreg:s6], $0x2FFFF;
	_ =	strace $0x9FFFFFFF  }
0xc1: {  	(tm) =	ssettm $0x7FFFFFFF  }
tec
execute0_lowered:
.L_overlay_start_1:
0x0: {  	(tag) =	ssettag $0x1  }
0x1: {  	s16 =	rddreg [dreg:$0x0];
	s2 =	srdreg.scid  }
0x2: {  	s0 =	rddreg [dreg:$0x1];
	s1 =	stileid.u32;
	s20 =	sand.u32 $0x1, s2  }
0x3: {  	s2 =	simm.s32 $0x0;
	s3 =	sshll.u32 s1, $0x6;
	s4 =	sshll.u32 s20, $0x5  }
0x4: {  	s15 =	sadd.s32 $0x400, s16;
	[smem:$0x7FF] =	sst s2;
	s17 =	sor.u32 s4, s3  }
0x5: {  	_ =	strace $0x80000047;
	s3 =	simm.s32 $0x2;
	s4 =	sadd.s32 s15, s17  }
0x6: {  	[tilespmem:s2], [sflag:$0x2] =	stream.linear.gather [hbm4b:s4+s2], $0x80, $0x38;
	[tilespmem:$0x400] =	vst v63  }
0x7: {  	_ =	swait.ge [sflag:s3], $0x80  }
0x8: {  	[sflag:s3] =	ssyncset.done $0x0  }
0x9: {  	s6 =	simm.s32 $0x100;
	s5 =	sadd.s32 s16, s17;
	[sflag:s3] =	ssyncadd.s32 $0xFFFFFF80  }
0xa: {  	[tilespmem:s6], [sflag:$0x2] =	stream.linear.gather [hbm4b:s5+s2], $0x80, $0x38;
	[tilespmem:$0x400] =	vst v63  }
0xb: {  	_ =	swait.ge [sflag:s3], $0x80  }
0xc: {  	s8 =	simm.s32 $0x80;
	s9 =	simm.s32 $0x200;
	[sflag:s3] =	ssyncset.done $0x0  }
0xd: {  	s10 =	simm.s32 $0x1;
	s7 =	sadd.s32 $0x200400, s16;
	[sflag:s3] =	ssyncadd.s32 $0xFFFFFF80  }
0xe: {  	[tilespmem:s9], [sflag:$0x1] =	stream.indirect.gather [hbm4b:s7+s8], $0x1, s2, s8, $0xb8;
	[tilespmem:$0x400] =	vst v63  }
0xf: {  	_ =	swait.ge [sflag:s10], $0x80  }
0x10: {  	[sflag:s10] =	ssyncset.done $0x0  }
0x11: {  	s12 =	simm.s32 $0x300;
	s11 =	sadd.s32 $0x800, s16;
	[sflag:s10] =	ssyncadd.s32 $0xFFFFFF80  }
0x12: {  	[tilespmem:s12], [sflag:$0x1] =	stream.indirect.gather [hbm4b:s11+s8], $0x1, s6, s8, $0xb8;
	[tilespmem:$0x400] =	vst v63  }
0x13: {  	_ =	swait.ge [sflag:s10], $0x80  }
0x14: {  	s21 =	sadd.s32 $0x5400, s16;
	[sflag:s10] =	ssyncset.done $0x0  }
0x15: {  	s13 =	sadd.s32 s21, s17;
	[sflag:s10] =	ssyncadd.s32 $0xFFFFFF80  }
0x16: {  	[hbm4b:s13+s2] =	stream.linear.scatter [tilespmem:s9], [sflag:$0x2], $0x80, $0x38;
	[tilespmem:$0x400] =	vst v63  }
0x17: {  	_ =	swait.ge [sflag:s3], $0x80  }
0x18: {  	s22 =	sadd.s32 $0x5000, s16;
	[sflag:s3] =	ssyncset.done $0x0  }
0x19: {  	s14 =	sadd.s32 s22, s17;
	[sflag:s3] =	ssyncadd.s32 $0xFFFFFF80  }
0x1a: {  	[hbm4b:s14+s2] =	stream.linear.scatter [tilespmem:s12], [sflag:$0x2], $0x80, $0x38;
	[tilespmem:$0x400] =	vst v63  }
0x1b: {  	_ =	swait.ge [sflag:s3], $0x80  }
0x1c: {  	s23 =	sor.u32 $0x10, s17;
	[sflag:s3] =	ssyncset.done $0x0  }
0x1d: {  	s15 =	sadd.s32 s15, s23;
	[sflag:s3] =	ssyncadd.s32 $0xFFFFFF80  }
0x1e: {  	[tilespmem:s8], [sflag:$0x2] =	stream.linear.gather [hbm4b:s15+s2], $0x80, $0x38;
	[tilespmem:$0x400] =	vst v63  }
0x1f: {  	_ =	swait.ge [sflag:s3], $0x80  }
0x20: {  	[sflag:s3] =	ssyncset.done $0x0  }
0x21: {  	s17 =	simm.s32 $0x180;
	s16 =	sadd.s32 s16, s23;
	[sflag:s3] =	ssyncadd.s32 $0xFFFFFF80  }
0x22: {  	[tilespmem:s17], [sflag:$0x2] =	stream.linear.gather [hbm4b:s16+s2], $0x80, $0x38;
	[tilespmem:$0x400] =	vst v63  }
0x23: {  	_ =	swait.ge [sflag:s3], $0x80  }
0x24: {  	[sflag:s3] =	ssyncset.done $0x0  }
0x25: {  	s18 =	simm.s32 $0x280;
	[sflag:s3] =	ssyncadd.s32 $0xFFFFFF80  }
0x26: {  	[tilespmem:s18], [sflag:$0x1] =	stream.indirect.gather [hbm4b:s7+s8], $0x1, s8, s8, $0xb8;
	[tilespmem:$0x400] =	vst v63  }
0x27: {  	_ =	swait.ge [sflag:s10], $0x80  }
0x28: {  	[sflag:s10] =	ssyncset.done $0x0  }
0x29: {  	s19 =	simm.s32 $0x380;
	s24 =	ssub.s32 $0x2, s20;
	[sflag:s10] =	ssyncadd.s32 $0xFFFFFF80  }
0x2a: {  	[tilespmem:s19], [sflag:$0x1] =	stream.indirect.gather [hbm4b:s11+s8], $0x1, s17, s8, $0xb8;
	[tilespmem:$0x400] =	vst v63  }
0x2b: {  	s30 =	sshrl.u32 s24, $0x1;
	_ =	swait.ge [sflag:s10], $0x80  }
0x2c: {  	s24 =	ssub.s32 s24, s30;
	[sflag:s10] =	ssyncset.done $0x0  }
0x2d: {  	s20 =	sadd.s32 s21, s23;
	s31 =	smax.u32 s24, $0x1;
	[sflag:s10] =	ssyncadd.s32 $0xFFFFFF80  }
0x2e: {  	[hbm4b:s20+s2] =	stream.linear.scatter [tilespmem:s18], [sflag:$0x2], $0x80, $0x38;
	[tilespmem:$0x400] =	vst v63  }
0x2f: {  	p0 =	sne.s32 s31, $0x1;
	_ =	swait.ge [sflag:s3], $0x80  }
.Ltmp0:
0x30: {  	[sflag:s3] =	ssyncset.done $0x0;
	(pc) =	sbr.rel @!p0 .LBB2_2-.Ltmp0, $4  }
0x31: {  	s21 =	sadd.s32 s22, s23;
	[sflag:s3] =	ssyncadd.s32 $0xFFFFFF80  }
0x32: {  	[hbm4b:s21+s2] =	stream.linear.scatter [tilespmem:s19], [sflag:$0x2], $0x80, $0x38;
	[tilespmem:$0x400] =	vst v63  }
0x33: {  	_ =	swait.ge [sflag:s3], $0x80  }
0x34: {  	s22 =	sadd.s32 $0xFFFFFFFF, s31;
	[sflag:s3] =	ssyncset.done $0x0  }
.LBB2_1:
0x35: {  	p0 =	sne.s32 s22, $0x1;
	s22 =	sadd.s32 $0xFFFFFFFF, s22;
	[sflag:s3] =	ssyncadd.s32 $0xFFFFFF80  }
0x36: {  	[tilespmem:s2], [sflag:$0x2] =	stream.linear.gather [hbm4b:s4+s2], $0x80, $0x38;
	[tilespmem:$0x400] =	vst v63  }
0x37: {  	_ =	swait.ge [sflag:s3], $0x80  }
0x38: {  	[sflag:s3] =	ssyncset.done $0x0  }
0x39: {  	[sflag:s3] =	ssyncadd.s32 $0xFFFFFF80  }
0x3a: {  	[tilespmem:s6], [sflag:$0x2] =	stream.linear.gather [hbm4b:s5+s2], $0x80, $0x38;
	[tilespmem:$0x400] =	vst v63  }
0x3b: {  	_ =	swait.ge [sflag:s3], $0x80  }
0x3c: {  	[sflag:s3] =	ssyncset.done $0x0  }
0x3d: {  	[sflag:s3] =	ssyncadd.s32 $0xFFFFFF80  }
0x3e: {  	[tilespmem:s9], [sflag:$0x1] =	stream.indirect.gather [hbm4b:s7+s8], $0x1, s2, s8, $0xb8;
	[tilespmem:$0x400] =	vst v63  }
0x3f: {  	_ =	swait.ge [sflag:s10], $0x80  }
0x40: {  	[sflag:s10] =	ssyncset.done $0x0  }
0x41: {  	[sflag:s10] =	ssyncadd.s32 $0xFFFFFF80  }
0x42: {  	[tilespmem:s12], [sflag:$0x1] =	stream.indirect.gather [hbm4b:s11+s8], $0x1, s6, s8, $0xb8;
	[tilespmem:$0x400] =	vst v63  }
0x43: {  	_ =	swait.ge [sflag:s10], $0x80  }
0x44: {  	[sflag:s10] =	ssyncset.done $0x0  }
0x45: {  	[sflag:s10] =	ssyncadd.s32 $0xFFFFFF80  }
0x46: {  	[hbm4b:s13+s2] =	stream.linear.scatter [tilespmem:s9], [sflag:$0x2], $0x80, $0x38;
	[tilespmem:$0x400] =	vst v63  }
0x47: {  	_ =	swait.ge [sflag:s3], $0x80  }
0x48: {  	[sflag:s3] =	ssyncset.done $0x0  }
0x49: {  	[sflag:s3] =	ssyncadd.s32 $0xFFFFFF80  }
0x4a: {  	[hbm4b:s14+s2] =	stream.linear.scatter [tilespmem:s12], [sflag:$0x2], $0x80, $0x38;
	[tilespmem:$0x400] =	vst v63  }
0x4b: {  	_ =	swait.ge [sflag:s3], $0x80  }
0x4c: {  	[sflag:s3] =	ssyncset.done $0x0  }
0x4d: {  	[sflag:s3] =	ssyncadd.s32 $0xFFFFFF80  }
0x4e: {  	[tilespmem:s8], [sflag:$0x2] =	stream.linear.gather [hbm4b:s15+s2], $0x80, $0x38;
	[tilespmem:$0x400] =	vst v63  }
0x4f: {  	_ =	swait.ge [sflag:s3], $0x80  }
0x50: {  	[sflag:s3] =	ssyncset.done $0x0  }
0x51: {  	[sflag:s3] =	ssyncadd.s32 $0xFFFFFF80  }
0x52: {  	[tilespmem:s17], [sflag:$0x2] =	stream.linear.gather [hbm4b:s16+s2], $0x80, $0x38;
	[tilespmem:$0x400] =	vst v63  }
0x53: {  	_ =	swait.ge [sflag:s3], $0x80  }
0x54: {  	[sflag:s3] =	ssyncset.done $0x0  }
0x55: {  	[sflag:s3] =	ssyncadd.s32 $0xFFFFFF80  }
0x56: {  	[tilespmem:s18], [sflag:$0x1] =	stream.indirect.gather [hbm4b:s7+s8], $0x1, s8, s8, $0xb8;
	[tilespmem:$0x400] =	vst v63  }
0x57: {  	_ =	swait.ge [sflag:s10], $0x80  }
0x58: {  	[sflag:s10] =	ssyncset.done $0x0  }
0x59: {  	[sflag:s10] =	ssyncadd.s32 $0xFFFFFF80  }
0x5a: {  	[tilespmem:s19], [sflag:$0x1] =	stream.indirect.gather [hbm4b:s11+s8], $0x1, s17, s8, $0xb8;
	[tilespmem:$0x400] =	vst v63  }
0x5b: {  	_ =	swait.ge [sflag:s10], $0x80  }
0x5c: {  	[sflag:s10] =	ssyncset.done $0x0  }
0x5d: {  	[sflag:s10] =	ssyncadd.s32 $0xFFFFFF80  }
0x5e: {  	[hbm4b:s20+s2] =	stream.linear.scatter [tilespmem:s18], [sflag:$0x2], $0x80, $0x38;
	[tilespmem:$0x400] =	vst v63  }
0x5f: {  	_ =	swait.ge [sflag:s3], $0x80  }
.Ltmp1:
0x60: {  	[sflag:s3] =	ssyncset.done $0x0;
	(pc) =	sbr.rel @p0 .LBB2_1-.Ltmp1, $4  }
0x61: {  	[sflag:s3] =	ssyncadd.s32 $0xFFFFFF80  }
0x62: {  	[hbm4b:s21+s2] =	stream.linear.scatter [tilespmem:s19], [sflag:$0x2], $0x80, $0x38;
	[tilespmem:$0x400] =	vst v63  }
0x63: {  	_ =	swait.ge [sflag:s3], $0x80  }
0x64: {  	[sflag:s3] =	ssyncset.done $0x0  }
.LBB2_2:
0x65: {  	[sflag:s3] =	ssyncadd.s32 $0xFFFFFF80  }
0x66: {  	_ =	sfence.sel $0x180000  }
0x67: {  	[bflag:$0x0] =	sbarrier.arrive $0xFFFF  }
0x68: {  	p0 =	sne.s32 s1, $0x0;
	_ =	strace $0x90000047  }
0x69: {  	s0 =	sadd.s32 @!p0 $0x100000, s0;
	[bflag:$0x2] =	sbarrier.arrive $0xFFFF  }
0x6a: {  	[sflag:s0] =	ssyncadd.tile.s32 @!p0 $0x1;
	_ =	shalt  }
.Lfunc_end2:
_tile_overlayer_lowered:
.L_overlay_start_2:
0x6b: {  	(tag) =	ssettag $0x2  }
0x6c: {  	s0 =	rddreg [dreg:$0x0];
	s2 =	stileid.u32  }
0x6d: {  	s1 =	rddreg [dreg:$0x1];
	p0 =	sne.s32 s2, $0x0  }
0x6e: {  	s3 =	rddreg [dreg:$0x2];
	[bflag:$0x3] =	sbarrier.arrive $0xFFFF;
	s2 =	simm.s32 @!p0 $0x1C02  }
0x6f: {  	[timem:s3], [sflag:s2] =	dma.local @!p0 [hbm:s0], s1  }
0x70: {  	s0 =	simm.s32 @!p0 $0x2  }
0x71: {  	_ =	swait.ge @!p0 [sflag:s0], s1  }
0x72: {  	s1 =	ssub.s32 @!p0 $0x0, s1;
	[sflag:s0] =	ssyncset.done @!p0 $0x0  }
0x73: {  	[sflag:s0] =	ssyncadd.s32 @!p0 s1  }
0x74: {  	[bflag:$0x3] =	sbarrier.arrive $0xFFFF  }
0x75: {  	_ =	shalt  }

</sc_bundles>
